<compile_context>
chip_gen: v7x
topology: tpu7x:2x2x1
jax: 0.10.2.dev20260603
libtpu: 0.0.44.dev20260713+nightly
codegen_flags: <defaults>
</compile_context>

<pallas_src>
import functools

import jax
import jax.numpy as jnp
from jax import lax
from jax.experimental import pallas as pl
from jax.experimental.pallas import tpu as pltpu
from jax.experimental.pallas import tpu_sc as plsc

N = 10000
E = 320000
DIN = 128
DOUT = 128
G = 2
NC = 2
NS = 16
NW = NC * NS
EPW = E // NW
L = 16

_mesh = plsc.VectorSubcoreMesh(core_axis_name="c", subcore_axis_name="s")
_sc_params = pltpu.CompilerParams(needs_layout_passes=False)


@functools.partial(
    pl.kernel,
    out_type=jax.ShapeDtypeStruct((NW, N), jnp.float32),
    mesh=_mesh,
    compiler_params=_sc_params,
    scratch_types=[
        pltpu.VMEM((EPW,), jnp.int32),
        pltpu.VMEM((N,), jnp.float32),
        pltpu.SemaphoreType.DMA,
    ],
)
def _deg_kernel(edge_hbm, out_hbm, col_v, deg_v, sem):
    wid = lax.axis_index("s") * NC + lax.axis_index("c")
    d1 = pltpu.async_copy(edge_hbm.at[pl.ds(E + wid * EPW, EPW)], col_v, sem)

    z16 = jnp.zeros((L,), jnp.float32)

    @plsc.parallel_loop(0, N // L, 1, unroll=8)
    def _zero(i):
        deg_v[pl.ds(i * L, L)] = z16

    d1.wait()

    ones = jnp.ones((L,), jnp.float32)

    @plsc.parallel_loop(0, EPW // L, 1, unroll=8)
    def _scat(i):
        c = col_v[pl.ds(i * L, L)]
        plsc.addupdate_scatter(deg_v, [c], ones)

    pltpu.sync_copy(deg_v, out_hbm.at[wid])


def _prep_body(degp_ref, batch_ref, dis_ref, s_ref):
    deg = jnp.sum(degp_ref[...], axis=0, keepdims=True) + 1.0
    dis = lax.rsqrt(deg)
    dis_ref[...] = dis
    s_ref[...] = dis * (1.0 - 2.0 * batch_ref[...].astype(jnp.float32))


_prep = pl.pallas_call(
    _prep_body,
    out_shape=(jax.ShapeDtypeStruct((1, N), jnp.float32),
               jax.ShapeDtypeStruct((1, N), jnp.float32)),
)


@functools.partial(
    pl.kernel,
    out_type=jax.ShapeDtypeStruct((NW, G * N), jnp.float32),
    mesh=_mesh,
    compiler_params=_sc_params,
    scratch_types=[
        pltpu.VMEM((EPW,), jnp.int32),
        pltpu.VMEM((EPW,), jnp.int32),
        pltpu.VMEM((N,), jnp.float32),
        pltpu.VMEM((G * N,), jnp.float32),
        pltpu.SemaphoreType.DMA,
    ],
)
def _acc_kernel(edge_hbm, s_hbm, out_hbm, row_v, col_v, s_v, a_v, sem):
    wid = lax.axis_index("s") * NC + lax.axis_index("c")
    d1 = pltpu.async_copy(edge_hbm.at[pl.ds(wid * EPW, EPW)], row_v, sem)
    d2 = pltpu.async_copy(edge_hbm.at[pl.ds(E + wid * EPW, EPW)], col_v, sem)
    d3 = pltpu.async_copy(s_hbm, s_v, sem)

    z16 = jnp.zeros((L,), jnp.float32)

    @plsc.parallel_loop(0, G * N // L, 1, unroll=8)
    def _zero(i):
        a_v[pl.ds(i * L, L)] = z16

    d1.wait()
    d2.wait()
    d3.wait()

    off1 = jnp.full((L,), N, jnp.int32)
    off0 = jnp.zeros((L,), jnp.int32)

    @plsc.parallel_loop(0, EPW // L, 1, unroll=8)
    def _scat(i):
        c = col_v[pl.ds(i * L, L)]
        r = row_v[pl.ds(i * L, L)]
        s = plsc.load_gather(s_v, [c])
        idx = r + jnp.where(s < 0.0, off1, off0)
        plsc.addupdate_scatter(a_v, [idx], jnp.abs(s))

    pltpu.sync_copy(a_v, out_hbm.at[wid])


def _final_body(ap_ref, dis_ref, batch_ref, x_ref,
                wgz_ref, bgz_ref, wgh_ref, bgh_ref,
                wlz_ref, blz_ref, wlh_ref, blh_ref, out_ref):
    ap = ap_ref[...]
    asum = jnp.sum(ap, axis=0, keepdims=True)
    a0 = asum[:, :N]
    a1 = asum[:, N:]
    dis = dis_ref[...]
    b = batch_ref[...]
    m0 = (b == 0).astype(jnp.float32)
    m1 = 1.0 - m0
    u0 = dis * (a0 + m0 * dis)
    u1 = dis * (a1 + m1 * dis)
    cnt0 = jnp.sum(m0)
    cnt1 = N - cnt0
    w0 = u0 / jnp.maximum(cnt0, 1.0)
    w1 = u1 / jnp.maximum(cnt1, 1.0)
    w = jnp.concatenate([w0, w1], axis=0)
    y = jnp.dot(w, x_ref[...], preferred_element_type=jnp.float32)

    def matT(p, q):
        return lax.dot_general(p, q, (((1,), (1,)), ((), ())),
                               preferred_element_type=jnp.float32)

    zt = matT(y, wgz_ref[...]) + bgz_ref[...]
    ht = matT(y, wgh_ref[...]) + bgh_ref[...]
    z = jax.nn.sigmoid(matT(zt, wlz_ref[...]) + blz_ref[...])
    htl = jnp.tanh(matT(ht, wlh_ref[...]) + blh_ref[...])
    out_ref[...] = (1.0 - z) * htl


_final = pl.pallas_call(
    _final_body,
    out_shape=jax.ShapeDtypeStruct((G, DOUT), jnp.float32),
)


def kernel(X, edge_index, readout_batch, Wg_z, bg_z, Wg_r, bg_r, Wg_h, bg_h,
           Wl_z, bl_z, Wl_r, bl_r, Wl_h, bl_h):
    batch = readout_batch.astype(jnp.int32)
    edge_flat = edge_index.reshape(2 * E)

    deg_part = _deg_kernel(edge_flat)
    dis, s = _prep(deg_part, batch.reshape(1, N))
    a_part = _acc_kernel(edge_flat, s.reshape(N))

    return _final(
        a_part, dis, batch.reshape(1, N), X,
        Wg_z, bg_z.reshape(1, DOUT), Wg_h, bg_h.reshape(1, DOUT),
        Wl_z[:, :DOUT], bl_z.reshape(1, DOUT),
        Wl_h[:, :DOUT], bl_h.reshape(1, DOUT),
    )

# --- scband reference (transcript-rebuilt; emitter-appended) ---
"""Pipeline reference for scband-my-tgcn-80504866996870 (READ-ONLY COPY).

The authoritative reference and input builder live on the scoring server;
editing this copy changes nothing except your own understanding.
"""

import jax, jax.numpy as jnp
import numpy as np

N = 10000
E = 320000
DIN = 128
DOUT = 128
G = 2  # module hardcodes hidden state H to shape [2, out_channels]


def _gcn(x, row, col, W, b, n):
    # GCNConv: x @ W.T, add self loops (fill 1.0), symmetric deg^-1/2 norm, scatter-add at dst, + bias
    x = x @ W.T
    loop = jnp.arange(n, dtype=row.dtype)
    r = jnp.concatenate([row, loop])
    c = jnp.concatenate([col, loop])
    ew = jnp.ones(r.shape[0], dtype=x.dtype)
    deg = jax.ops.segment_sum(ew, c, num_segments=n)
    dis = jnp.where(deg > 0, 1.0 / jnp.sqrt(deg), 0.0)
    norm = dis[r] * ew * dis[c]
    out = jax.ops.segment_sum(x[r] * norm[:, None], c, num_segments=n)
    return out + b


def _global_mean_pool(x, batch, g):
    s = jax.ops.segment_sum(x, batch, num_segments=g)
    cnt = jax.ops.segment_sum(jnp.ones((x.shape[0],), x.dtype), batch, num_segments=g)
    return s / jnp.maximum(cnt, 1.0)[:, None]


def setup_inputs(seed: int = 0) -> dict:
    key = jax.random.key(seed)
    ks = jax.random.split(key, 16)
    inp = {}
    inp["X"] = jax.random.normal(ks[0], (N, DIN), dtype=jnp.float32)
    inp["edge_index"] = jax.random.randint(ks[1], (2, E), 0, N, dtype=jnp.int64) if jax.config.jax_enable_x64 else jax.random.randint(ks[1], (2, E), 0, N)
    inp["readout_batch"] = jnp.sort(jax.random.randint(ks[2], (N,), 0, G))
    sc_in = 1.0 / np.sqrt(DIN)
    sc_lin = 1.0 / np.sqrt(2 * DOUT)
    # GCNConv weights (lin: [out, in], no bias inside lin; GCNConv bias: [out])
    inp["Wg_z"] = jax.random.normal(ks[3], (DOUT, DIN), jnp.float32) * sc_in
    inp["bg_z"] = jnp.zeros((DOUT,), jnp.float32)
    inp["Wg_r"] = jax.random.normal(ks[4], (DOUT, DIN), jnp.float32) * sc_in
    inp["bg_r"] = jnp.zeros((DOUT,), jnp.float32)
    inp["Wg_h"] = jax.random.normal(ks[5], (DOUT, DIN), jnp.float32) * sc_in
    inp["bg_h"] = jnp.zeros((DOUT,), jnp.float32)
    # Linear layers: [out, 2*out] + bias [out]
    inp["Wl_z"] = jax.random.normal(ks[6], (DOUT, 2 * DOUT), jnp.float32) * sc_lin
    inp["bl_z"] = jax.random.normal(ks[7], (DOUT,), jnp.float32) * sc_lin
    inp["Wl_r"] = jax.random.normal(ks[8], (DOUT, 2 * DOUT), jnp.float32) * sc_lin
    inp["bl_r"] = jax.random.normal(ks[9], (DOUT,), jnp.float32) * sc_lin
    inp["Wl_h"] = jax.random.normal(ks[10], (DOUT, 2 * DOUT), jnp.float32) * sc_lin
    inp["bl_h"] = jax.random.normal(ks[11], (DOUT,), jnp.float32) * sc_lin
    return inp


def reference(X, edge_index, readout_batch, Wg_z, bg_z, Wg_r, bg_r, Wg_h, bg_h, Wl_z, bl_z, Wl_r, bl_r, Wl_h, bl_h):
    row, col = edge_index[0], edge_index[1]
    H = jnp.zeros((G, DOUT), X.dtype)  # _set_hidden_state with H=None
    # update gate
    Zt = _global_mean_pool(_gcn(X, row, col, Wg_z, bg_z, N), readout_batch, G)
    Z = jax.nn.sigmoid(jnp.concatenate([Zt, H], axis=1) @ Wl_z.T + bl_z)
    # reset gate (computed but unused downstream, faithful to original)
    Rt = _global_mean_pool(_gcn(X, row, col, Wg_r, bg_r, N), readout_batch, G)
    R = jax.nn.sigmoid(jnp.concatenate([Rt, H], axis=1) @ Wl_r.T + bl_r)
    # candidate state (note: original does NOT use R here)
    Ht = _global_mean_pool(_gcn(X, row, col, Wg_h, bg_h, N), readout_batch, G)
    H_tilde = jnp.tanh(jnp.concatenate([Ht, H], axis=1) @ Wl_h.T + bl_h)
    H_out = Z * H + (1.0 - Z) * H_tilde
    return H_out

if __name__ == "__main__":
    import jax
    _d = setup_inputs()
    print(jax.jit(kernel)(*tuple(_d.values())))

</pallas_src>

<mosaic_0001>
#map = affine_map<(d0, d1) -> (0)>
#map1 = affine_map<(d0, d1) -> (0, 0)>
module attributes {stable_mosaic.version = 14 : i64} {
  func.func @_deg_kernel(%arg0: i32, %arg1: i32, %arg2: memref<640000xi32, #tpu.memory_space<hbm>>, %arg3: memref<32x10000xf32, #tpu.memory_space<hbm>>, %arg4: memref<10000xi32, #tpu.memory_space<vmem>>, %arg5: memref<10000xf32, #tpu.memory_space<vmem>>, %arg6: memref<!tpu.dma_semaphore, #tpu.memory_space<semaphore_mem>>) attributes {dimension_semantics = [#tpu.dimension_semantics<core_parallel>, #tpu.dimension_semantics<subcore_parallel>], iteration_bounds = array<i64: 2, 16>, scalar_prefetch = 0 : i64, scratch_operands = 3 : i64, tpu.core_type = #tpu.core_type<sc_vector_subcore>, window_params = [{transform_indices = #map}, {transform_indices = #map1}]} {
    %mul3A = arith.constant 2 : i32
    %mul3A_0 = arith.muli %arg1, %mul3A : i32
    %add3A = arith.addi %mul3A_0, %arg0 : i32
    %mul3A_1 = arith.constant 10000 : i32
    %mul3A_2 = arith.muli %add3A, %mul3A_1 : i32
    %add3A_3 = arith.constant 320000 : i32
    %add3A_4 = arith.addi %add3A_3, %mul3A_2 : i32
    %dma_start3A = tpu.memref_slice %arg2[%add3A_4] : memref<640000xi32, #tpu.memory_space<hbm>> -> memref<10000xi32, #tpu.memory_space<hbm>>
    %dma_start3A_5 = tpu.memref_slice %arg2[%add3A_4] : memref<640000xi32, #tpu.memory_space<hbm>> -> memref<10000xi32, #tpu.memory_space<hbm>>
    tpu.enqueue_dma source(%dma_start3A_5 : memref<10000xi32, #tpu.memory_space<hbm>>) target(%arg4 : memref<10000xi32, #tpu.memory_space<vmem>>) target_semaphore(%arg6 : memref<!tpu.dma_semaphore, #tpu.memory_space<semaphore_mem>>)
    %broadcast_in_dim3A = arith.constant 0.000000e+00 : f32
    %broadcast_in_dim3A_6 = vector.broadcast %broadcast_in_dim3A : f32 to vector<16xf32>
    %parallel_loop3A = arith.constant 0 : i32
    %parallel_loop3A_7 = arith.constant 625 : i32
    %parallel_loop3A_8 = arith.constant 1 : i32
    scf.for %parallel_loop3A_15 = %parallel_loop3A to %parallel_loop3A_7 step %parallel_loop3A_8  : i32 {
      %parallel_loop3A_16 = arith.constant 16 : i32
      %parallel_loop3A_17 = arith.muli %parallel_loop3A_15, %parallel_loop3A_16 : i32
      %parallel_loop3A_18 = arith.index_cast %parallel_loop3A_17 : i32 to index
      %parallel_loop3A_19 = tpu.vector_load %arg5[%parallel_loop3A_18] {strides = array<i32>} : memref<10000xf32, #tpu.memory_space<vmem>>, vector<16xf32>,
      tpu.vector_store %arg5[%parallel_loop3A_18], %broadcast_in_dim3A_6 {strides = array<i32>} : memref<10000xf32, #tpu.memory_space<vmem>>, vector<16xf32>,
    } {sc.loop_unroll_factor = 8 : i64, sc.parallel_access}
    %dma_wait3A = tpu.memref_slice %arg2[%add3A_4] : memref<640000xi32, #tpu.memory_space<hbm>> -> memref<10000xi32, #tpu.memory_space<hbm>>
    %dma_wait3A_9 = tpu.memref_slice %arg2[%add3A_4] : memref<640000xi32, #tpu.memory_space<hbm>> -> memref<10000xi32, #tpu.memory_space<hbm>>
    tpu.wait_dma2 semaphore(%arg6 : memref<!tpu.dma_semaphore, #tpu.memory_space<semaphore_mem>>) src(%dma_wait3A_9 : memref<10000xi32, #tpu.memory_space<hbm>>) dst(%arg4 : memref<10000xi32, #tpu.memory_space<vmem>>)
    %broadcast_in_dim3A_10 = arith.constant 1.000000e+00 : f32
    %broadcast_in_dim3A_11 = vector.broadcast %broadcast_in_dim3A_10 : f32 to vector<16xf32>
    %parallel_loop3A_12 = arith.constant 0 : i32
    %parallel_loop3A_13 = arith.constant 625 : i32
    %parallel_loop3A_14 = arith.constant 1 : i32
    scf.for %parallel_loop3A_15 = %parallel_loop3A_12 to %parallel_loop3A_13 step %parallel_loop3A_14  : i32 {
      %parallel_loop3A_16 = arith.constant 16 : i32
      %parallel_loop3A_17 = arith.muli %parallel_loop3A_15, %parallel_loop3A_16 : i32
      %parallel_loop3A_18 = arith.index_cast %parallel_loop3A_17 : i32 to index
      %parallel_loop3A_19 = tpu.vector_load %arg4[%parallel_loop3A_18] {strides = array<i32>} : memref<10000xi32, #tpu.memory_space<vmem>>, vector<16xi32>,
      tpu.vector_store_idx %arg5[%parallel_loop3A_19], %broadcast_in_dim3A_11 {add = true} : memref<10000xf32, #tpu.memory_space<vmem>>[vector<16xi32>], vector<16xf32>,
    } {sc.loop_unroll_factor = 8 : i64, sc.parallel_access}
    "tpu.region"() ({
      %run_scoped3A = tpu.sem_alloc : memref<!tpu.dma_semaphore, #tpu.memory_space<semaphore_mem>>
      %dma_start3A_15 = arith.constant 0 : i32
      %dma_start3A_16 = tpu.memref_slice %arg3[%add3A, %dma_start3A_15] : memref<32x10000xf32, #tpu.memory_space<hbm>> -> memref<1x10000xf32, #tpu.memory_space<hbm>>
      %dma_start3A_17 = tpu.memref_squeeze %dma_start3A_16 : memref<1x10000xf32, #tpu.memory_space<hbm>> -> memref<10000xf32, #tpu.memory_space<hbm>>
      %dma_start3A_18 = arith.constant 0 : i32
      %dma_start3A_19 = tpu.memref_slice %arg3[%add3A, %dma_start3A_18] : memref<32x10000xf32, #tpu.memory_space<hbm>> -> memref<1x10000xf32, #tpu.memory_space<hbm>>
      %dma_start3A_20 = tpu.memref_squeeze %dma_start3A_19 : memref<1x10000xf32, #tpu.memory_space<hbm>> -> memref<10000xf32, #tpu.memory_space<hbm>>
      tpu.enqueue_dma source(%arg5 : memref<10000xf32, #tpu.memory_space<vmem>>) target(%dma_start3A_20 : memref<10000xf32, #tpu.memory_space<hbm>>) target_semaphore(%run_scoped3A : memref<!tpu.dma_semaphore, #tpu.memory_space<semaphore_mem>>)
      %dma_wait3A_21 = arith.constant 0 : i32
      %dma_wait3A_22 = tpu.memref_slice %arg3[%add3A, %dma_wait3A_21] : memref<32x10000xf32, #tpu.memory_space<hbm>> -> memref<1x10000xf32, #tpu.memory_space<hbm>>
      %dma_wait3A_23 = tpu.memref_squeeze %dma_wait3A_22 : memref<1x10000xf32, #tpu.memory_space<hbm>> -> memref<10000xf32, #tpu.memory_space<hbm>>
      %dma_wait3A_24 = arith.constant 0 : i32
      %dma_wait3A_25 = tpu.memref_slice %arg3[%add3A, %dma_wait3A_24] : memref<32x10000xf32, #tpu.memory_space<hbm>> -> memref<1x10000xf32, #tpu.memory_space<hbm>>
      %dma_wait3A_26 = tpu.memref_squeeze %dma_wait3A_25 : memref<1x10000xf32, #tpu.memory_space<hbm>> -> memref<10000xf32, #tpu.memory_space<hbm>>
      tpu.wait_dma2 semaphore(%run_scoped3A : memref<!tpu.dma_semaphore, #tpu.memory_space<semaphore_mem>>) src(%arg5 : memref<10000xf32, #tpu.memory_space<vmem>>) dst(%dma_wait3A_26 : memref<10000xf32, #tpu.memory_space<hbm>>)
      tpu.yield
    }) : () -> ()
    return
  }
}

#map = affine_map<(d0, d1) -> (0)>
#map1 = affine_map<(d0, d1) -> (0, 0)>
module attributes {stable_mosaic.version = 14 : i64} {
  func.func @_acc_kernel(%arg0: i32, %arg1: i32, %arg2: memref<640000xi32, #tpu.memory_space<hbm>>, %arg3: memref<10000xf32, #tpu.memory_space<hbm>>, %arg4: memref<32x20000xf32, #tpu.memory_space<hbm>>, %arg5: memref<10000xi32, #tpu.memory_space<vmem>>, %arg6: memref<10000xi32, #tpu.memory_space<vmem>>, %arg7: memref<10000xf32, #tpu.memory_space<vmem>>, %arg8: memref<20000xf32, #tpu.memory_space<vmem>>, %arg9: memref<!tpu.dma_semaphore, #tpu.memory_space<semaphore_mem>>) attributes {dimension_semantics = [#tpu.dimension_semantics<core_parallel>, #tpu.dimension_semantics<subcore_parallel>], iteration_bounds = array<i64: 2, 16>, scalar_prefetch = 0 : i64, scratch_operands = 5 : i64, tpu.core_type = #tpu.core_type<sc_vector_subcore>, window_params = [{transform_indices = #map}, {transform_indices = #map}, {transform_indices = #map1}]} {
    %mul3A = arith.constant 2 : i32
    %mul3A_0 = arith.muli %arg1, %mul3A : i32
    %add3A = arith.addi %mul3A_0, %arg0 : i32
    %mul3A_1 = arith.constant 10000 : i32
    %mul3A_2 = arith.muli %add3A, %mul3A_1 : i32
    %dma_start3A = tpu.memref_slice %arg2[%mul3A_2] : memref<640000xi32, #tpu.memory_space<hbm>> -> memref<10000xi32, #tpu.memory_space<hbm>>
    %dma_start3A_3 = tpu.memref_slice %arg2[%mul3A_2] : memref<640000xi32, #tpu.memory_space<hbm>> -> memref<10000xi32, #tpu.memory_space<hbm>>
    tpu.enqueue_dma source(%dma_start3A_3 : memref<10000xi32, #tpu.memory_space<hbm>>) target(%arg5 : memref<10000xi32, #tpu.memory_space<vmem>>) target_semaphore(%arg9 : memref<!tpu.dma_semaphore, #tpu.memory_space<semaphore_mem>>)
    %mul3A_4 = arith.constant 10000 : i32
    %mul3A_5 = arith.muli %add3A, %mul3A_4 : i32
    %add3A_6 = arith.constant 320000 : i32
    %add3A_7 = arith.addi %add3A_6, %mul3A_5 : i32
    %dma_start3A_8 = tpu.memref_slice %arg2[%add3A_7] : memref<640000xi32, #tpu.memory_space<hbm>> -> memref<10000xi32, #tpu.memory_space<hbm>>
    %dma_start3A_9 = tpu.memref_slice %arg2[%add3A_7] : memref<640000xi32, #tpu.memory_space<hbm>> -> memref<10000xi32, #tpu.memory_space<hbm>>
    tpu.enqueue_dma source(%dma_start3A_9 : memref<10000xi32, #tpu.memory_space<hbm>>) target(%arg6 : memref<10000xi32, #tpu.memory_space<vmem>>) target_semaphore(%arg9 : memref<!tpu.dma_semaphore, #tpu.memory_space<semaphore_mem>>)
    tpu.enqueue_dma source(%arg3 : memref<10000xf32, #tpu.memory_space<hbm>>) target(%arg7 : memref<10000xf32, #tpu.memory_space<vmem>>) target_semaphore(%arg9 : memref<!tpu.dma_semaphore, #tpu.memory_space<semaphore_mem>>)
    %broadcast_in_dim3A = arith.constant 0.000000e+00 : f32
    %broadcast_in_dim3A_10 = vector.broadcast %broadcast_in_dim3A : f32 to vector<16xf32>
    %parallel_loop3A = arith.constant 0 : i32
    %parallel_loop3A_11 = arith.constant 1250 : i32
    %parallel_loop3A_12 = arith.constant 1 : i32
    scf.for %parallel_loop3A_23 = %parallel_loop3A to %parallel_loop3A_11 step %parallel_loop3A_12  : i32 {
      %parallel_loop3A_24 = arith.constant 16 : i32
      %parallel_loop3A_25 = arith.muli %parallel_loop3A_23, %parallel_loop3A_24 : i32
      %parallel_loop3A_26 = arith.index_cast %parallel_loop3A_25 : i32 to index
      %parallel_loop3A_27 = tpu.vector_load %arg8[%parallel_loop3A_26] {strides = array<i32>} : memref<20000xf32, #tpu.memory_space<vmem>>, vector<16xf32>,
      tpu.vector_store %arg8[%parallel_loop3A_26], %broadcast_in_dim3A_10 {strides = array<i32>} : memref<20000xf32, #tpu.memory_space<vmem>>, vector<16xf32>,
    } {sc.loop_unroll_factor = 8 : i64, sc.parallel_access}
    %dma_wait3A = tpu.memref_slice %arg2[%mul3A_2] : memref<640000xi32, #tpu.memory_space<hbm>> -> memref<10000xi32, #tpu.memory_space<hbm>>
    %dma_wait3A_13 = tpu.memref_slice %arg2[%mul3A_2] : memref<640000xi32, #tpu.memory_space<hbm>> -> memref<10000xi32, #tpu.memory_space<hbm>>
    tpu.wait_dma2 semaphore(%arg9 : memref<!tpu.dma_semaphore, #tpu.memory_space<semaphore_mem>>) src(%dma_wait3A_13 : memref<10000xi32, #tpu.memory_space<hbm>>) dst(%arg5 : memref<10000xi32, #tpu.memory_space<vmem>>)
    %dma_wait3A_14 = tpu.memref_slice %arg2[%add3A_7] : memref<640000xi32, #tpu.memory_space<hbm>> -> memref<10000xi32, #tpu.memory_space<hbm>>
    %dma_wait3A_15 = tpu.memref_slice %arg2[%add3A_7] : memref<640000xi32, #tpu.memory_space<hbm>> -> memref<10000xi32, #tpu.memory_space<hbm>>
    tpu.wait_dma2 semaphore(%arg9 : memref<!tpu.dma_semaphore, #tpu.memory_space<semaphore_mem>>) src(%dma_wait3A_15 : memref<10000xi32, #tpu.memory_space<hbm>>) dst(%arg6 : memref<10000xi32, #tpu.memory_space<vmem>>)
    tpu.wait_dma2 semaphore(%arg9 : memref<!tpu.dma_semaphore, #tpu.memory_space<semaphore_mem>>) src(%arg3 : memref<10000xf32, #tpu.memory_space<hbm>>) dst(%arg7 : memref<10000xf32, #tpu.memory_space<vmem>>)
    %broadcast_in_dim3A_16 = arith.constant 10000 : i32
    %broadcast_in_dim3A_17 = vector.broadcast %broadcast_in_dim3A_16 : i32 to vector<16xi32>
    %broadcast_in_dim3A_18 = arith.constant 0 : i32
    %broadcast_in_dim3A_19 = vector.broadcast %broadcast_in_dim3A_18 : i32 to vector<16xi32>
    %parallel_loop3A_20 = arith.constant 0 : i32
    %parallel_loop3A_21 = arith.constant 625 : i32
    %parallel_loop3A_22 = arith.constant 1 : i32
    scf.for %parallel_loop3A_23 = %parallel_loop3A_20 to %parallel_loop3A_21 step %parallel_loop3A_22  : i32 {
      %parallel_loop3A_24 = arith.constant 16 : i32
      %parallel_loop3A_25 = arith.muli %parallel_loop3A_23, %parallel_loop3A_24 : i32
      %parallel_loop3A_26 = arith.index_cast %parallel_loop3A_25 : i32 to index
      %parallel_loop3A_27 = tpu.vector_load %arg6[%parallel_loop3A_26] {strides = array<i32>} : memref<10000xi32, #tpu.memory_space<vmem>>, vector<16xi32>,
      %parallel_loop3A_28 = arith.constant 16 : i32
      %parallel_loop3A_29 = arith.muli %parallel_loop3A_23, %parallel_loop3A_28 : i32
      %parallel_loop3A_30 = arith.index_cast %parallel_loop3A_29 : i32 to index
      %parallel_loop3A_31 = tpu.vector_load %arg5[%parallel_loop3A_30] {strides = array<i32>} : memref<10000xi32, #tpu.memory_space<vmem>>, vector<16xi32>,
      %parallel_loop3A_32 = tpu.vector_load_idx %arg7[%parallel_loop3A_27] : memref<10000xf32, #tpu.memory_space<vmem>>[vector<16xi32>], vector<16xf32>,
      %parallel_loop3A_33 = arith.constant 0.000000e+00 : f32
      %parallel_loop3A_34 = vector.broadcast %parallel_loop3A_33 : f32 to vector<16xf32>
      %parallel_loop3A_35 = arith.cmpf olt, %parallel_loop3A_32, %parallel_loop3A_34 : vector<16xf32>
      %parallel_loop3A_36 = arith.select %parallel_loop3A_35, %broadcast_in_dim3A_17, %broadcast_in_dim3A_19 : vector<16xi1>, vector<16xi32>
      %parallel_loop3A_37 = arith.addi %parallel_loop3A_31, %parallel_loop3A_36 : vector<16xi32>
      %parallel_loop3A_38 = math.absf %parallel_loop3A_32 : vector<16xf32>
      tpu.vector_store_idx %arg8[%parallel_loop3A_37], %parallel_loop3A_38 {add = true} : memref<20000xf32, #tpu.memory_space<vmem>>[vector<16xi32>], vector<16xf32>,
    } {sc.loop_unroll_factor = 8 : i64, sc.parallel_access}
    "tpu.region"() ({
      %run_scoped3A = tpu.sem_alloc : memref<!tpu.dma_semaphore, #tpu.memory_space<semaphore_mem>>
      %dma_start3A_23 = arith.constant 0 : i32
      %dma_start3A_24 = tpu.memref_slice %arg4[%add3A, %dma_start3A_23] : memref<32x20000xf32, #tpu.memory_space<hbm>> -> memref<1x20000xf32, #tpu.memory_space<hbm>>
      %dma_start3A_25 = tpu.memref_squeeze %dma_start3A_24 : memref<1x20000xf32, #tpu.memory_space<hbm>> -> memref<20000xf32, #tpu.memory_space<hbm>>
      %dma_start3A_26 = arith.constant 0 : i32
      %dma_start3A_27 = tpu.memref_slice %arg4[%add3A, %dma_start3A_26] : memref<32x20000xf32, #tpu.memory_space<hbm>> -> memref<1x20000xf32, #tpu.memory_space<hbm>>
      %dma_start3A_28 = tpu.memref_squeeze %dma_start3A_27 : memref<1x20000xf32, #tpu.memory_space<hbm>> -> memref<20000xf32, #tpu.memory_space<hbm>>
      tpu.enqueue_dma source(%arg8 : memref<20000xf32, #tpu.memory_space<vmem>>) target(%dma_start3A_28 : memref<20000xf32, #tpu.memory_space<hbm>>) target_semaphore(%run_scoped3A : memref<!tpu.dma_semaphore, #tpu.memory_space<semaphore_mem>>)
      %dma_wait3A_29 = arith.constant 0 : i32
      %dma_wait3A_30 = tpu.memref_slice %arg4[%add3A, %dma_wait3A_29] : memref<32x20000xf32, #tpu.memory_space<hbm>> -> memref<1x20000xf32, #tpu.memory_space<hbm>>
      %dma_wait3A_31 = tpu.memref_squeeze %dma_wait3A_30 : memref<1x20000xf32, #tpu.memory_space<hbm>> -> memref<20000xf32, #tpu.memory_space<hbm>>
      %dma_wait3A_32 = arith.constant 0 : i32
      %dma_wait3A_33 = tpu.memref_slice %arg4[%add3A, %dma_wait3A_32] : memref<32x20000xf32, #tpu.memory_space<hbm>> -> memref<1x20000xf32, #tpu.memory_space<hbm>>
      %dma_wait3A_34 = tpu.memref_squeeze %dma_wait3A_33 : memref<1x20000xf32, #tpu.memory_space<hbm>> -> memref<20000xf32, #tpu.memory_space<hbm>>
      tpu.wait_dma2 semaphore(%run_scoped3A : memref<!tpu.dma_semaphore, #tpu.memory_space<semaphore_mem>>) src(%arg8 : memref<20000xf32, #tpu.memory_space<vmem>>) dst(%dma_wait3A_34 : memref<20000xf32, #tpu.memory_space<hbm>>)
      tpu.yield
    }) : () -> ()
    return
  }
}

module attributes {stable_mosaic.version = 14 : i64} {
  func.func @_final_body(%arg0: memref<32x20000xf32, #tpu.memory_space<vmem>>, %arg1: memref<1x10000xf32, #tpu.memory_space<vmem>>, %arg2: memref<1x10000xi32, #tpu.memory_space<vmem>>, %arg3: memref<10000x128xf32, #tpu.memory_space<vmem>>, %arg4: memref<128x128xf32, #tpu.memory_space<vmem>>, %arg5: memref<1x128xf32, #tpu.memory_space<vmem>>, %arg6: memref<128x128xf32, #tpu.memory_space<vmem>>, %arg7: memref<1x128xf32, #tpu.memory_space<vmem>>, %arg8: memref<128x128xf32, #tpu.memory_space<vmem>>, %arg9: memref<1x128xf32, #tpu.memory_space<vmem>>, %arg10: memref<128x128xf32, #tpu.memory_space<vmem>>, %arg11: memref<1x128xf32, #tpu.memory_space<vmem>>, %arg12: memref<2x128xf32, #tpu.memory_space<vmem>>) attributes {dimension_semantics = [], scalar_prefetch = 0 : i64, scratch_operands = 0 : i64, tpu.core_type = #tpu.core_type<tc>} {
    %get3A = arith.constant 0 : index
    %get3A_0 = arith.constant 0 : index
    %get3A_1 = vector.load %arg0[%get3A, %get3A_0] : memref<32x20000xf32, #tpu.memory_space<vmem>>, vector<32x20000xf32>
    %reduce_sum3A = arith.constant dense<0.000000e+00> : vector<20000xf32>
    %reduce_sum3A_2 = vector.multi_reduction <add>, %get3A_1, %reduce_sum3A [0] : vector<32x20000xf32> to vector<20000xf32>
    %broadcast_in_dim3A = vector.shape_cast %reduce_sum3A_2 : vector<20000xf32> to vector<1x20000xf32>
    %slice3A = vector.extract_strided_slice %broadcast_in_dim3A {offsets = [0, 0], sizes = [1, 10000], strides = [1, 1]} : vector<1x20000xf32> to vector<1x10000xf32>
    %slice3A_3 = vector.extract_strided_slice %broadcast_in_dim3A {offsets = [0, 10000], sizes = [1, 10000], strides = [1, 1]} : vector<1x20000xf32> to vector<1x10000xf32>
    %get3A_4 = arith.constant 0 : index
    %get3A_5 = arith.constant 0 : index
    %get3A_6 = vector.load %arg1[%get3A_4, %get3A_5] : memref<1x10000xf32, #tpu.memory_space<vmem>>, vector<1x10000xf32>
    %get3A_7 = arith.constant 0 : index
    %get3A_8 = arith.constant 0 : index
    %get3A_9 = vector.load %arg2[%get3A_7, %get3A_8] : memref<1x10000xi32, #tpu.memory_space<vmem>>, vector<1x10000xi32>
    %eq3A = arith.constant 0 : i32
    %eq3A_10 = vector.broadcast %eq3A : i32 to vector<1x10000xi32>
    %eq3A_11 = arith.cmpi eq, %get3A_9, %eq3A_10 : vector<1x10000xi32>
    %convert_element_type3A = arith.extui %eq3A_11 : vector<1x10000xi1> to vector<1x10000xi32>
    %convert_element_type3A_12 = arith.sitofp %convert_element_type3A : vector<1x10000xi32> to vector<1x10000xf32>
    %sub3A = arith.constant 1.000000e+00 : f32
    %sub3A_13 = vector.broadcast %sub3A : f32 to vector<1x10000xf32>
    %sub3A_14 = arith.subf %sub3A_13, %convert_element_type3A_12 : vector<1x10000xf32>
    %mul3A = arith.mulf %convert_element_type3A_12, %get3A_6 : vector<1x10000xf32>
    %add3A = arith.addf %slice3A, %mul3A : vector<1x10000xf32>
    %mul3A_15 = arith.mulf %get3A_6, %add3A : vector<1x10000xf32>
    %mul3A_16 = arith.mulf %sub3A_14, %get3A_6 : vector<1x10000xf32>
    %add3A_17 = arith.addf %slice3A_3, %mul3A_16 : vector<1x10000xf32>
    %mul3A_18 = arith.mulf %get3A_6, %add3A_17 : vector<1x10000xf32>
    %reduce_sum3A_19 = vector.shape_cast %convert_element_type3A_12 : vector<1x10000xf32> to vector<1x1x10000xf32>
    %reduce_sum3A_20 = arith.constant dense<0.000000e+00> : vector<1xf32>
    %reduce_sum3A_21 = vector.multi_reduction <add>, %reduce_sum3A_19, %reduce_sum3A_20 [1, 2] : vector<1x1x10000xf32> to vector<1xf32>
    %reduce_sum3A_22 = vector.shape_cast %reduce_sum3A_21 : vector<1xf32> to vector<1x1x1xf32>
    %reduce_sum3A_23 = vector.extract %reduce_sum3A_22[0, 0, 0] : f32 from vector<1x1x1xf32>
    %sub3A_24 = arith.constant 1.000000e+04 : f32
    %sub3A_25 = arith.subf %sub3A_24, %reduce_sum3A_23 : f32
    %max3A = arith.constant 1.000000e+00 : f32
    %max3A_26 = arith.maximumf %reduce_sum3A_23, %max3A : f32
    %div3A = vector.broadcast %max3A_26 : f32 to vector<1x10000xf32>
    %div3A_27 = arith.divf %mul3A_15, %div3A : vector<1x10000xf32>
    %max3A_28 = arith.constant 1.000000e+00 : f32
    %max3A_29 = arith.maximumf %sub3A_25, %max3A_28 : f32
    %div3A_30 = vector.broadcast %max3A_29 : f32 to vector<1x10000xf32>
    %div3A_31 = arith.divf %mul3A_18, %div3A_30 : vector<1x10000xf32>
    %concatenate3A = tpu.concatenate %div3A_27, %div3A_31 in 0 : vector<1x10000xf32>, vector<1x10000xf32> -> vector<2x10000xf32>
    %get3A_32 = arith.constant 0 : index
    %get3A_33 = arith.constant 0 : index
    %get3A_34 = vector.load %arg3[%get3A_32, %get3A_33] : memref<10000x128xf32, #tpu.memory_space<vmem>>, vector<10000x128xf32>
    %dot_general3A = arith.constant dense<0.000000e+00> : vector<2x128xf32>
    %dot_general3A_35 = tpu.matmul %concatenate3A, %get3A_34, %dot_general3A {dimension_numbers = #tpu.dot_dimension_numbers<[1], [0], [0], [1], [0, 0, 1, 1], [], []>, transpose_lhs_hint = false} : vector<2x10000xf32>, vector<10000x128xf32>, vector<2x128xf32> -> vector<2x128xf32>
    %get3A_36 = arith.constant 0 : index
    %get3A_37 = arith.constant 0 : index
    %get3A_38 = vector.load %arg4[%get3A_36, %get3A_37] : memref<128x128xf32, #tpu.memory_space<vmem>>, vector<128x128xf32>
    %dot_general3A_39 = arith.constant dense<0.000000e+00> : vector<2x128xf32>
    %dot_general3A_40 = tpu.matmul %dot_general3A_35, %get3A_38, %dot_general3A_39 {dimension_numbers = #tpu.dot_dimension_numbers<[1], [1], [0], [0], [0, 0, 1, 0], [], []>, transpose_lhs_hint = false} : vector<2x128xf32>, vector<128x128xf32>, vector<2x128xf32> -> vector<2x128xf32>
    %get3A_41 = arith.constant 0 : index
    %get3A_42 = arith.constant 0 : index
    %get3A_43 = vector.load %arg5[%get3A_41, %get3A_42] : memref<1x128xf32, #tpu.memory_space<vmem>>, vector<1x128xf32>
    %add3A_44 = vector.broadcast %get3A_43 : vector<1x128xf32> to vector<2x128xf32>
    %add3A_45 = arith.addf %dot_general3A_40, %add3A_44 : vector<2x128xf32>
    %get3A_46 = arith.constant 0 : index
    %get3A_47 = arith.constant 0 : index
    %get3A_48 = vector.load %arg6[%get3A_46, %get3A_47] : memref<128x128xf32, #tpu.memory_space<vmem>>, vector<128x128xf32>
    %dot_general3A_49 = arith.constant dense<0.000000e+00> : vector<2x128xf32>
    %dot_general3A_50 = tpu.matmul %dot_general3A_35, %get3A_48, %dot_general3A_49 {dimension_numbers = #tpu.dot_dimension_numbers<[1], [1], [0], [0], [0, 0, 1, 0], [], []>, transpose_lhs_hint = false} : vector<2x128xf32>, vector<128x128xf32>, vector<2x128xf32> -> vector<2x128xf32>
    %get3A_51 = arith.constant 0 : index
    %get3A_52 = arith.constant 0 : index
    %get3A_53 = vector.load %arg7[%get3A_51, %get3A_52] : memref<1x128xf32, #tpu.memory_space<vmem>>, vector<1x128xf32>
    %add3A_54 = vector.broadcast %get3A_53 : vector<1x128xf32> to vector<2x128xf32>
    %add3A_55 = arith.addf %dot_general3A_50, %add3A_54 : vector<2x128xf32>
    %get3A_56 = arith.constant 0 : index
    %get3A_57 = arith.constant 0 : index
    %get3A_58 = vector.load %arg8[%get3A_56, %get3A_57] : memref<128x128xf32, #tpu.memory_space<vmem>>, vector<128x128xf32>
    %dot_general3A_59 = arith.constant dense<0.000000e+00> : vector<2x128xf32>
    %dot_general3A_60 = tpu.matmul %add3A_45, %get3A_58, %dot_general3A_59 {dimension_numbers = #tpu.dot_dimension_numbers<[1], [1], [0], [0], [0, 0, 1, 0], [], []>, transpose_lhs_hint = false} : vector<2x128xf32>, vector<128x128xf32>, vector<2x128xf32> -> vector<2x128xf32>
    %get3A_61 = arith.constant 0 : index
    %get3A_62 = arith.constant 0 : index
    %get3A_63 = vector.load %arg9[%get3A_61, %get3A_62] : memref<1x128xf32, #tpu.memory_space<vmem>>, vector<1x128xf32>
    %add3A_64 = vector.broadcast %get3A_63 : vector<1x128xf32> to vector<2x128xf32>
    %add3A_65 = arith.addf %dot_general3A_60, %add3A_64 : vector<2x128xf32>
    %logistic3A = arith.negf %add3A_65 : vector<2x128xf32>
    %logistic3A_66 = math.exp %logistic3A : vector<2x128xf32>
    %logistic3A_67 = arith.constant 1.000000e+00 : f32
    %logistic3A_68 = vector.broadcast %logistic3A_67 : f32 to vector<2x128xf32>
    %logistic3A_69 = arith.addf %logistic3A_68, %logistic3A_66 : vector<2x128xf32>
    %logistic3A_70 = arith.divf %logistic3A_68, %logistic3A_69 : vector<2x128xf32>
    %get3A_71 = arith.constant 0 : index
    %get3A_72 = arith.constant 0 : index
    %get3A_73 = vector.load %arg10[%get3A_71, %get3A_72] : memref<128x128xf32, #tpu.memory_space<vmem>>, vector<128x128xf32>
    %dot_general3A_74 = arith.constant dense<0.000000e+00> : vector<2x128xf32>
    %dot_general3A_75 = tpu.matmul %add3A_55, %get3A_73, %dot_general3A_74 {dimension_numbers = #tpu.dot_dimension_numbers<[1], [1], [0], [0], [0, 0, 1, 0], [], []>, transpose_lhs_hint = false} : vector<2x128xf32>, vector<128x128xf32>, vector<2x128xf32> -> vector<2x128xf32>
    %get3A_76 = arith.constant 0 : index
    %get3A_77 = arith.constant 0 : index
    %get3A_78 = vector.load %arg11[%get3A_76, %get3A_77] : memref<1x128xf32, #tpu.memory_space<vmem>>, vector<1x128xf32>
    %add3A_79 = vector.broadcast %get3A_78 : vector<1x128xf32> to vector<2x128xf32>
    %add3A_80 = arith.addf %dot_general3A_75, %add3A_79 : vector<2x128xf32>
    %tanh3A = math.tanh %add3A_80 : vector<2x128xf32>
    %sub3A_81 = arith.constant 1.000000e+00 : f32
    %sub3A_82 = vector.broadcast %sub3A_81 : f32 to vector<2x128xf32>
    %sub3A_83 = arith.subf %sub3A_82, %logistic3A_70 : vector<2x128xf32>
    %mul3A_84 = arith.mulf %sub3A_83, %tanh3A : vector<2x128xf32>
    %swap3A = arith.constant 0 : index
    %swap3A_85 = arith.constant 0 : index
    %swap3A_86 = vector.load %arg12[%swap3A, %swap3A_85] : memref<2x128xf32, #tpu.memory_space<vmem>>, vector<2x128xf32>
    tpu.vector_store %arg12[%swap3A, %swap3A_85], %mul3A_84 {strides = array<i32>} : memref<2x128xf32, #tpu.memory_space<vmem>>, vector<2x128xf32>,
    return
  }
}

module attributes {stable_mosaic.version = 14 : i64} {
  func.func @_prep_body(%arg0: memref<32x10000xf32, #tpu.memory_space<vmem>>, %arg1: memref<1x10000xi32, #tpu.memory_space<vmem>>, %arg2: memref<1x10000xf32, #tpu.memory_space<vmem>>, %arg3: memref<1x10000xf32, #tpu.memory_space<vmem>>) attributes {dimension_semantics = [], scalar_prefetch = 0 : i64, scratch_operands = 0 : i64, tpu.core_type = #tpu.core_type<tc>} {
    %get3A = arith.constant 0 : index
    %get3A_0 = arith.constant 0 : index
    %get3A_1 = vector.load %arg0[%get3A, %get3A_0] : memref<32x10000xf32, #tpu.memory_space<vmem>>, vector<32x10000xf32>
    %reduce_sum3A = arith.constant dense<0.000000e+00> : vector<10000xf32>
    %reduce_sum3A_2 = vector.multi_reduction <add>, %get3A_1, %reduce_sum3A [0] : vector<32x10000xf32> to vector<10000xf32>
    %broadcast_in_dim3A = vector.shape_cast %reduce_sum3A_2 : vector<10000xf32> to vector<1x10000xf32>
    %add3A = arith.constant 1.000000e+00 : f32
    %add3A_3 = vector.broadcast %add3A : f32 to vector<1x10000xf32>
    %add3A_4 = arith.addf %broadcast_in_dim3A, %add3A_3 : vector<1x10000xf32>
    %rsqrt3A = math.rsqrt %add3A_4 : vector<1x10000xf32>
    %swap3A = arith.constant 0 : index
    %swap3A_5 = arith.constant 0 : index
    %swap3A_6 = vector.load %arg2[%swap3A, %swap3A_5] : memref<1x10000xf32, #tpu.memory_space<vmem>>, vector<1x10000xf32>
    tpu.vector_store %arg2[%swap3A, %swap3A_5], %rsqrt3A {strides = array<i32>} : memref<1x10000xf32, #tpu.memory_space<vmem>>, vector<1x10000xf32>,
    %get3A_7 = arith.constant 0 : index
    %get3A_8 = arith.constant 0 : index
    %get3A_9 = vector.load %arg1[%get3A_7, %get3A_8] : memref<1x10000xi32, #tpu.memory_space<vmem>>, vector<1x10000xi32>
    %convert_element_type3A = arith.sitofp %get3A_9 : vector<1x10000xi32> to vector<1x10000xf32>
    %mul3A = arith.constant 2.000000e+00 : f32
    %mul3A_10 = vector.broadcast %mul3A : f32 to vector<1x10000xf32>
    %mul3A_11 = arith.mulf %mul3A_10, %convert_element_type3A : vector<1x10000xf32>
    %sub3A = arith.constant 1.000000e+00 : f32
    %sub3A_12 = vector.broadcast %sub3A : f32 to vector<1x10000xf32>
    %sub3A_13 = arith.subf %sub3A_12, %mul3A_11 : vector<1x10000xf32>
    %mul3A_14 = arith.mulf %rsqrt3A, %sub3A_13 : vector<1x10000xf32>
    %swap3A_15 = arith.constant 0 : index
    %swap3A_16 = arith.constant 0 : index
    %swap3A_17 = vector.load %arg3[%swap3A_15, %swap3A_16] : memref<1x10000xf32, #tpu.memory_space<vmem>>, vector<1x10000xf32>
    tpu.vector_store %arg3[%swap3A_15, %swap3A_16], %mul3A_14 {strides = array<i32>} : memref<1x10000xf32, #tpu.memory_space<vmem>>, vector<1x10000xf32>,
    return
  }
}

</mosaic_0001>

<sc_bundles>
// kernel: kernel.6.cloned.1.call-start
scs
__scs_entry_jumppad:
0x0: {  	(pc) =	sbr.rel $0x88, $3  }
0x1: {  	(tag) =	ssettag $0x0;
	lr =	simm.s32 $0x1  }
0x2: {  	[smem:$0x3F96] =	sst lr;
	_ =	strace $0xD0000000  }
0x3: {  	_ = 	snop  }
0x4: {  	_ = 	snop  }
0x5: {  	_ = 	snop  }
0x6: {  	_ = 	snop  }
0x7: {  	_ = 	snop  }
__scs_overlays_trampoline_lowered:
0x8: {  	[smem:$0x3FA5] =	sst s0  }
0x9: {  	[smem:$0x3FA6] =	sst s1  }
0xa: {  	[smem:$0x3FA7] =	sst s2  }
0xb: {  	[smem:$0x3FA8] =	sst s3  }
0xc: {  	[smem:$0x3FA9] =	sst s4  }
0xd: {  	[smem:$0x3FAA] =	sst s5  }
0xe: {  	[smem:$0x3FAB] =	sst s6  }
0xf: {  	[smem:$0x3FAC] =	sst s7  }
0x10: {  	[smem:$0x3FAD] =	sst s8  }
0x11: {  	[smem:$0x3FAE] =	sst s9;
	s0 =	simm.s32 @!p0 $0x0  }
0x12: {  	s1 =	sld [smem:$0x3F94];
	s0 =	simm.s32 @p0 $0x1  }
0x13: {  	[smem:$0x3FAF] =	sst s0;
	s0 =	simm.s32 @!p1 $0x0  }
0x14: {  	s2 =	sld [smem:$0x3F93];
	s0 =	simm.s32 @p1 $0x1  }
0x15: {  	[smem:$0x3FB0] =	sst s0;
	s0 =	simm.s32 @!p2 $0x0  }
0x16: {  	s3 =	sld [smem:$0x3FDB];
	s0 =	simm.s32 @p2 $0x1  }
0x17: {  	s4 =	simm.s32 $0x1BF5;
	[smem:$0x3FB2] =	sst s0  }
0x18: {  	s0 =	sld [smem:$0x3F95];
	_ =	swait.ge [sflag:s4], $0x0  }
0x19: {  	s7 =	sld [smem:$0x3F96]  }
0x1a: {  	s8 =	sadd.s32 $0xFFFFE003, lr  }
0x1b: {  	s9 =	sadd.s32 $0xFFFFFEF7, lr;
	s5 =	simm.s32 $0xFFFFFFFF;
	p2 =	slt.u32 s8, $0xFFFFF086  }
0x1c: {  	p1 =	slt.u32 s9, $0xF7A;
	s5 =	simm.s32 @!p2 $0x0  }
0x1d: {  	s5 =	simm.s32 @p1 $0x1;
	p0 =	seq.s32 s7, s2  }
0x1e: {  	s7 =	smul.u32 @!p0 $0xF7A, s2;
	p2 =	seq.s32 @!p0 s5, $0x0  }
0x1f: {  	s9 =	smul.u32 $0xF7A, s1;
	s8 =	simm.s32 @!p0 $0x1BF5;
	p2 =	por !p2, p0  }
0x20: {  	[sflag:s8] =	ssyncset.s32 @!p0 $0xFFFFF086;
	s6 =	sadd.s32 @!p0 s3, s7;
	s7 =	simm.s32 @!p0 $0x108  }
0x21: {  	s3 =	sadd.s32 s3, s9;
	s6 =	sadd.s32 @!p0 $0x88, s6;
	s7 =	simm.s32 @p2 $0x1082  }
0x22: {  	[simem:s7], [sflag:s8] =	dma.local @!p0 [hbm:s6], $0xF7A  }
0x23: {  	s9 =	sor.u32 $0xD0000000, s2;
	s6 =	simm.s32 $0x108;
	_ =	swait.ge @!p0 [sflag:s8], $0x0  }
0x24: {  	s3 =	sadd.s32 $0x88, s3;
	s6 =	simm.s32 @!p1 $0x1082;
	[sflag:s4] =	ssyncset.s32 $0xFFFFF086  }
0x25: {  	[simem:s6], [sflag:s4] =	dma.local [hbm:s3], $0xF7A  }
0x26: {  	[smem:$0x3F96] =	sst s1;
	(tag) =	ssettag s2;
	_ =	strace s9  }
0x27: {  	s1 =	sld [smem:$0x3FA6]  }
0x28: {  	s2 =	sld [smem:$0x3FA7]  }
0x29: {  	s4 =	sld [smem:$0x3FA9]  }
0x2a: {  	p0 =	seq.s32 s5, $0x0;
	s5 =	sld [smem:$0x3FAA]  }
0x2b: {  	s6 =	sld [smem:$0x3FAB]  }
0x2c: {  	s7 =	sld [smem:$0x3FAC]  }
0x2d: {  	s3 =	simm.s32 $0x108;
	s8 =	sld [smem:$0x3FAD]  }
0x2e: {  	s3 =	simm.s32 @!p0 $0x1082;
	s9 =	sld [smem:$0x3FAE]  }
0x2f: {  	lr =	sadd.s32 s0, s3;
	s0 =	sld [smem:$0x3FA5]  }
0x30: {  	s3 =	sld [smem:$0x3FA8]  }
0x31: {  	[smem:$0x3FB1] =	sst s10  }
0x32: {  	s10 =	sld [smem:$0x3FAF];
	_ =	sdelay $0x3  }
0x33: {  	p0 =	seq.s32 s10, $0x1;
	s10 =	sld [smem:$0x3FB1];
	_ =	sdelay $0x3  }
0x34: {  	[smem:$0x3FB1] =	sst s10  }
0x35: {  	s10 =	sld [smem:$0x3FB0];
	_ =	sdelay $0x3  }
0x36: {  	p1 =	seq.s32 s10, $0x1;
	s10 =	sld [smem:$0x3FB1];
	_ =	sdelay $0x3  }
0x37: {  	[smem:$0x3FB1] =	sst s10  }
0x38: {  	s10 =	sld [smem:$0x3FB2]  }
0x39: {  	_ = 	snop;
	(pc) =	sbr.ind lr, $3  }
0x3a: {  	_ = 	snop  }
0x3b: {  	_ = 	snop  }
0x3c: {  	p2 =	seq.s32 s10, $0x1;
	s10 =	sld [smem:$0x3FB1]  }
0x3d: {  	_ =	shalt  }
0x3e: {  	_ =	shalt  }
0x3f: {  	_ =	shalt  }
0x40: {  	_ =	shalt  }
0x41: {  	_ =	shalt  }
0x42: {  	_ =	shalt  }
0x43: {  	_ =	shalt  }
0x44: {  	_ =	shalt  }
0x45: {  	_ =	shalt  }
0x46: {  	_ =	shalt  }
0x47: {  	_ =	shalt  }
0x48: {  	_ =	shalt  }
0x49: {  	_ =	shalt  }
0x4a: {  	_ =	shalt  }
0x4b: {  	_ =	shalt  }
0x4c: {  	_ =	shalt  }
0x4d: {  	_ =	shalt  }
0x4e: {  	_ =	shalt  }
0x4f: {  	_ =	shalt  }
0x50: {  	_ =	shalt  }
0x51: {  	_ =	shalt  }
0x52: {  	_ =	shalt  }
0x53: {  	_ =	shalt  }
0x54: {  	_ =	shalt  }
0x55: {  	_ =	shalt  }
0x56: {  	_ =	shalt  }
0x57: {  	_ =	shalt  }
0x58: {  	_ =	shalt  }
0x59: {  	_ =	shalt  }
0x5a: {  	_ =	shalt  }
0x5b: {  	_ =	shalt  }
0x5c: {  	_ =	shalt  }
0x5d: {  	_ =	shalt  }
0x5e: {  	_ =	shalt  }
0x5f: {  	_ =	shalt  }
0x60: {  	_ =	shalt  }
0x61: {  	_ =	shalt  }
0x62: {  	_ =	shalt  }
0x63: {  	_ =	shalt  }
0x64: {  	_ =	shalt  }
0x65: {  	_ =	shalt  }
0x66: {  	_ =	shalt  }
0x67: {  	_ =	shalt  }
0x68: {  	_ =	shalt  }
0x69: {  	_ =	shalt  }
0x6a: {  	_ =	shalt  }
0x6b: {  	_ =	shalt  }
0x6c: {  	_ =	shalt  }
0x6d: {  	_ =	shalt  }
0x6e: {  	_ =	shalt  }
0x6f: {  	_ =	shalt  }
0x70: {  	_ =	shalt  }
0x71: {  	_ =	shalt  }
0x72: {  	_ =	shalt  }
0x73: {  	_ =	shalt  }
0x74: {  	_ =	shalt  }
0x75: {  	_ =	shalt  }
0x76: {  	_ =	shalt  }
0x77: {  	_ =	shalt  }
0x78: {  	_ =	shalt  }
0x79: {  	_ =	shalt  }
0x7a: {  	_ =	shalt  }
0x7b: {  	_ =	shalt  }
0x7c: {  	_ =	shalt  }
0x7d: {  	_ =	shalt  }
0x7e: {  	_ =	shalt  }
0x7f: {  	_ =	shalt  }
0x80: {  	_ =	shalt  }
0x81: {  	_ =	shalt  }
0x82: {  	_ =	shalt  }
0x83: {  	_ =	shalt  }
0x84: {  	_ =	shalt  }
0x85: {  	_ =	shalt  }
0x86: {  	_ =	shalt  }
0x87: {  	_ =	shalt  }
.Lfunc_end0:
.L_simem_size_0:
called_computation_lowered:
.L_overlay_start_0:
0x88: {  	s2 =	sld [smem:$0x3FD9]  }
0x89: {  	s3 =	sld [smem:$0x3FFE];
	_ =	sdelay $0x1  }
0x8a: {  	s1 =	srdreg.scid  }
0x8b: {  	s0 =	sand.u32 $0x1, s1  }
0x8c: {  	s16 =	sshll.u32 s0, $0xA;
	s2 =	sadd.s32 s3, s2  }
0x8d: {  	s2 =	sadd.s32 s2, s16  }
0x8e: {  	[smem:$0x3FBD] =	sst s2  }
0x8f: {  	_ = 	snop  }
0x90: {  	(tm) =	ssettm $0x1  }
0x91: {  	s17 =	sld [smem:$0x3FFB];
	_ =	sdelay $0x3  }
0x92: {  	_ =	strace s17  }
0x93: {  	s2 =	sld [smem:$0x3FFC];
	_ =	sdelay $0x3  }
0x94: {  	_ =	strace s2  }
0x95: {  	s2 =	sld [smem:$0x3FFD];
	_ =	sdelay $0x3  }
0x96: {  	_ =	strace s2  }
0x97: {  	_ =	strace $0x8FFFFFFF  }
0x98: {  	s18 =	sld [smem:$0x3FDB];
	_ =	sdelay $0x1  }
0x99: {  	s19 =	simm.s32 $_scs_section_size  }
0x9a: {  	s4 =	simm.s32 $_size__tile_overlayer_lowered;
	s5 =	simm.s32 $_tile_overlayer_lowered  }
0x9b: {  	s22 =	simm.s32 $0x1BFF;
	s21 =	sshll.u32 s5, $0x1;
	s2 =	sadd.s32 s19, s18  }
0x9c: {  	s6 =	simm.s32 $0x0;
	s20 =	sshll.u32 s4, $0x1;
	s4 =	sadd.s32 s21, s2  }
0x9d: {  	[timem:s6], [sflag:s22] =	dma.local [hbm:s4], s20  }
0x9e: {  	_ =	swait.ge [sflag:s22], s20  }
0x9f: {  	s3 =	ssub.s32 $0x0, s20;
	[sflag:s22] =	ssyncset.done $0x0  }
0xa0: {  	[sflag:s22] =	ssyncadd.s32 s3;
	_ =	sdelay $0x1  }
0xa1: {  	s23 =	simm.s32 $0x1B8B  }
0xa2: {  	_ =	swait.ge [sflag:s23], $0x1  }
0xa3: {  	[sflag:s23] =	ssyncset.done $0x0  }
0xa4: {  	s25 =	simm.s32 $0x1B8E;
	s24 =	sld [smem:$0x3FFE];
	[sflag:s23] =	ssyncadd.s32 $0xFFFFFFFF  }
0xa5: {  	s26 =	simm.s32 $execute0_lowered;
	[smem:$0x3FD2] =	sst s25  }
0xa6: {  	s4 =	sshll.u32 s26, $0x1;
	_ =	strace $0x80000046;
	[dreg:$0x1] =	wrdreg $0xFFFFFFFF  }
0xa7: {  	s28 =	simm.s32 $_size_execute0_lowered;
	s2 =	sadd.s32 s2, s4;
	[dreg:$0x0] =	wrdreg $0x0  }
0xa8: {  	s4 =	sshll.u32 s28, $0x1;
	[dreg:$0x2] =	wrdreg s2  }
0xa9: {  	[dreg:$0x3] =	wrdreg s4  }
0xaa: {  	[dreg:$0x4] =	wrdreg $0xC0  }
0xab: {  	_ =	task [dreg:s6], $0x5FFFF  }
0xac: {  	[dreg:$0x1] =	wrdreg $0xFFFFFFFF  }
0xad: {  	[dreg:$0x0] =	wrdreg $0x60  }
0xae: {  	[dreg:$0x2] =	wrdreg s24  }
0xaf: {  	[dreg:$0x3] =	wrdreg $0x9  }
0xb0: {  	_ =	task.clear_ibuf [dreg:s6], $0x4FFFF;
	_ =	strace $0x90000046  }
0xb1: {  	s29 =	simm.s32 $0x9;
	_ =	strace $0x80000048  }
0xb2: {  	_ =	swait.ge [sflag:s29], $0x1  }
0xb3: {  	[sflag:s29] =	ssyncadd.s32 $0xFFFFFFFF  }
0xb4: {  	_ =	strace $0x90000048  }
0xb5: {  	_ =	sfence  }
0xb6: {  	s30 =	sld [smem:$0x0];
	_ =	sdelay $0x2  }
0xb7: {  	s31 =	sshll.u32 s1, $0xD;
	s1 =	sshrl.u32 s1, $0x2  }
0xb8: {  	s3 =	sand.u32 $0x4000, s31;
	s1 =	sadd.s32 s1, s30  }
0xb9: {  	s0 =	sor.u32 s3, s0;
	s1 =	sshll.u32 s1, $0x11  }
0xba: {  	s0 =	sor.u32 s1, s0  }
0xbb: {  	s0 =	sadd.s32 $0x8F2B, s0  }
0xbc: {  	[sflag:s0] =	ssyncadd.remote.s32 $0x1  }
0xbd: {  	_ =	sfence.sel $0xFFFF  }
0xbe: {  	[dreg:$0x0] =	wrdreg $0xFFFFFFFF;
	(pc) =	sbr.abs _section_cstart, $3  }
0xbf: {  	[dreg:$0x1] =	wrdreg $0xFFFFFFFF  }
0xc0: {  	_ =	task.clear_ibuf [dreg:s6], $0x2FFFF;
	_ =	strace $0x9FFFFFFF  }
0xc1: {  	(tm) =	ssettm $0x7FFFFFFF  }
tec
execute0_lowered:
.L_overlay_start_1:
0x0: {  	(tag) =	ssettag $0x1  }
0x1: {  	s1 =	srdreg.scid;
	s0 =	stileid.u32  }
0x2: {  	s3 =	rddreg [dreg:$0x0];
	s8 =	simm.s32 $0x80;
	s9 =	simm.s32 $0x400  }
0x3: {  	s10 =	simm.s32 $0x2;
	s4 =	sand.u32 $0x1, s1;
	s2 =	sshll.u32 s0, $0x1  }
0x4: {  	s11 =	simm.s32 $0x0;
	s6 =	sshrl.u32 s0, $0x2;
	s5 =	sor.u32 s4, s2  }
0x5: {  	s1 =	rddreg [dreg:$0x1];
	s6 =	smul.u32 $0x13C00, s6;
	s7 =	sshll.u32 s5, $0x7  }
0x6: {  	s2 =	simm.s32 $0x0;
	s4 =	ssub.s32 $0x2, s4;
	s7 =	sand.u32 $0x380, s7  }
0x7: {  	[smem:$0x7FF] =	sst s2;
	s5 =	smul.u32 $0x2710, s5;
	s6 =	sor.u32 s6, s7  }
0x8: {  	s31 =	sshrl.u32 s4, $0x1;
	_ =	strace $0x80000047;
	s6 =	sshrl.u32 s6, $0x3  }
0x9: {  	s5 =	sshrl.u32 s5, $0x3;
	s7 =	ssub.s32 s4, s31;
	s6 =	sadd.s32 s6, s3  }
0xa: {  	s3 =	sadd.s32 s3, s5;
	s5 =	smax.u32 s7, $0x1;
	s7 =	simm.s32 $0x2780  }
0xb: {  	v0 =	vimm.f32 $0.0e+00;
	v1 =	vimm.f32 $1.000000000e+00;
	s3 =	sadd.s32 $0xC040, s3;
	s4 =	sadd.s32 $0x15E00, s6;
	s6 =	simm.s32 $0x1  }
.LBB2_1:
0xc: {  	[tilespmem:s2], [sflag:$0x1] =	stream.linear.gather [hbm4b:s3+s2], $0x2710, $0x38;
	[tilespmem:$0x4F00] =	vst v63  }
0xd: {  	s12 =	simm.s32 $0x27C0  }
0xe: {  	[tilespmem:s12+$0xFFFFFFC0] =	vst v0  }
0xf: {  	[tilespmem:s12+$0x30] =	vst v0  }
0x10: {  	[tilespmem:s12+$0x20] =	vst v0  }
0x11: {  	[tilespmem:s12+$0x10] =	vst v0  }
0x12: {  	[tilespmem:s12+$0x0] =	vst v0  }
0x13: {  	[tilespmem:s12+$0xFFFFFFF0] =	vst v0  }
0x14: {  	s13 =	simm.s32 $0x0;
	[tilespmem:s12+$0xFFFFFFE0] =	vst v0  }
.LBB2_2:
0x15: {  	s13 =	sadd.s32 $0x8, s13;
	[tilespmem:s12+$0xFFFFFFD0] =	vst v0;
	s12 =	sadd.s32 $0x80, s12  }
0x16: {  	[tilespmem:s12+$0xFFFFFFC0] =	vst v0;
	p0 =	slt.u32 s13, $0x268  }
0x17: {  	[tilespmem:s12+$0x30] =	vst v0  }
.Ltmp0:
0x18: {  	[tilespmem:s12+$0x20] =	vst v0;
	(pc) =	sbr.rel @p0 .LBB2_2-.Ltmp0, $4  }
0x19: {  	[tilespmem:s12+$0x10] =	vst v0  }
0x1a: {  	[tilespmem:s12+$0x0] =	vst v0  }
0x1b: {  	[tilespmem:s12+$0xFFFFFFF0] =	vst v0  }
0x1c: {  	[tilespmem:s12+$0xFFFFFFE0] =	vst v0  }
0x1d: {  	[tilespmem:s12+$0xFFFFFFD0] =	vst v0  }
0x1e: {  	[tilespmem:$0x4E80] =	vst v0  }
0x1f: {  	_ =	swait.ge [sflag:s6], $0x2710  }
0x20: {  	[sflag:s6] =	ssyncset.done $0x0  }
0x21: {  	s12 =	simm.s32 $0x40;
	[sflag:s6] =	ssyncadd.s32 $0xFFFFD8F0  }
0x22: {  	v3 =	vld [tilespmem:s12+$0xFFFFFFC0]  }
0x23: {  	v4 =	vld [tilespmem:s12+$0x30]  }
0x24: {  	v5 =	vld [tilespmem:s12+$0x20]  }
0x25: {  	v6 =	vld [tilespmem:s12+$0x10]  }
0x26: {  	v7 =	vld [tilespmem:s12+$0x0]  }
0x27: {  	v8 =	vld [tilespmem:s12+$0xFFFFFFF0]  }
0x28: {  	v9 =	vld [tilespmem:s12+$0xFFFFFFE0]  }
0x29: {  	v2 =	vld [tilespmem:s12+$0xFFFFFFD0]  }
0x2a: {  	[tilespmem:v3+s7+$0x0] =	vst.idx.add.f32.msk $0xffff, v1  }
0x2b: {  	[tilespmem:v4+s7+$0x0] =	vst.idx.add.f32.msk $0xffff, v1  }
0x2c: {  	[tilespmem:v5+s7+$0x0] =	vst.idx.add.f32.msk $0xffff, v1  }
0x2d: {  	[tilespmem:v6+s7+$0x0] =	vst.idx.add.f32.msk $0xffff, v1  }
0x2e: {  	[tilespmem:v7+s7+$0x0] =	vst.idx.add.f32.msk $0xffff, v1  }
0x2f: {  	[tilespmem:v8+s7+$0x0] =	vst.idx.add.f32.msk $0xffff, v1  }
0x30: {  	s13 =	simm.s32 $0x0;
	[tilespmem:v9+s7+$0x0] =	vst.idx.add.f32.msk $0xffff, v1  }
.LBB2_4:
0x31: {  	s13 =	sadd.s32 $0x8, s13;
	[tilespmem:v2+s7+$0x0] =	vst.idx.add.f32.msk $0xffff, v1;
	s12 =	sadd.s32 $0x80, s12  }
0x32: {  	v3 =	vld [tilespmem:s12+$0xFFFFFFC0];
	p0 =	slt.u32 s13, $0x268  }
0x33: {  	v4 =	vld [tilespmem:s12+$0x30]  }
0x34: {  	v5 =	vld [tilespmem:s12+$0x20]  }
0x35: {  	v6 =	vld [tilespmem:s12+$0x10]  }
0x36: {  	v7 =	vld [tilespmem:s12+$0x0]  }
0x37: {  	v8 =	vld [tilespmem:s12+$0xFFFFFFF0]  }
0x38: {  	v9 =	vld [tilespmem:s12+$0xFFFFFFE0]  }
0x39: {  	v2 =	vld [tilespmem:s12+$0xFFFFFFD0]  }
0x3a: {  	[tilespmem:v3+s7+$0x0] =	vst.idx.add.f32.msk $0xffff, v1  }
0x3b: {  	[tilespmem:v4+s7+$0x0] =	vst.idx.add.f32.msk $0xffff, v1  }
.Ltmp1:
0x3c: {  	[tilespmem:v5+s7+$0x0] =	vst.idx.add.f32.msk $0xffff, v1;
	(pc) =	sbr.rel @p0 .LBB2_4-.Ltmp1, $4  }
0x3d: {  	[tilespmem:v6+s7+$0x0] =	vst.idx.add.f32.msk $0xffff, v1  }
0x3e: {  	[tilespmem:v7+s7+$0x0] =	vst.idx.add.f32.msk $0xffff, v1  }
0x3f: {  	[tilespmem:v8+s7+$0x0] =	vst.idx.add.f32.msk $0xffff, v1  }
0x40: {  	[tilespmem:v9+s7+$0x0] =	vst.idx.add.f32.msk $0xffff, v1  }
0x41: {  	_ =	sdelay $0x3  }
0x42: {  	[tilespmem:v2+s7+$0x0] =	vst.idx.add.f32.msk $0xffff, v1  }
0x43: {  	v2 =	vld [tilespmem:$0x2700];
	_ =	sdelay $0x5  }
0x44: {  	s11 =	sadd.s32 $0x1, s11  }
0x45: {  	p0 =	sne.s32 s11, s5  }
.Ltmp2:
0x46: {  	[tilespmem:v2+s7+$0x0] =	vst.idx.add.f32.msk $0xffff, v1;
	(pc) =	sbr.rel @p0 .LBB2_1-.Ltmp2, $4  }
0x47: {  	[hbm4b:s4+s8] =	stream.strided.scatter [tilespmem:s7], [sflag:$0x2], $0x2780, s9, s8, $0x38;
	[tilespmem:$0x4F00] =	vst v63  }
0x48: {  	_ =	swait.ge [sflag:s10], $0x2780  }
0x49: {  	[sflag:s10] =	ssyncset.done $0x0  }
0x4a: {  	[sflag:s10] =	ssyncadd.s32 $0xFFFFD880  }
0x4b: {  	_ =	sfence.sel $0x180000  }
0x4c: {  	[bflag:$0x0] =	sbarrier.arrive $0xFFFF  }
0x4d: {  	p0 =	sne.s32 s0, $0x0;
	_ =	strace $0x90000047  }
0x4e: {  	s0 =	sadd.s32 @!p0 $0x100000, s1;
	[bflag:$0x2] =	sbarrier.arrive $0xFFFF  }
0x4f: {  	[sflag:s0] =	ssyncadd.tile.s32 @!p0 $0x1;
	_ =	shalt  }
.Lfunc_end2:
_tile_overlayer_lowered:
.L_overlay_start_2:
0x50: {  	(tag) =	ssettag $0x2  }
0x51: {  	s0 =	rddreg [dreg:$0x0];
	s2 =	stileid.u32  }
0x52: {  	s1 =	rddreg [dreg:$0x1];
	p0 =	sne.s32 s2, $0x0  }
0x53: {  	s3 =	rddreg [dreg:$0x2];
	[bflag:$0x3] =	sbarrier.arrive $0xFFFF;
	s2 =	simm.s32 @!p0 $0x1C02  }
0x54: {  	[timem:s3], [sflag:s2] =	dma.local @!p0 [hbm:s0], s1  }
0x55: {  	s0 =	simm.s32 @!p0 $0x2  }
0x56: {  	_ =	swait.ge @!p0 [sflag:s0], s1  }
0x57: {  	s1 =	ssub.s32 @!p0 $0x0, s1;
	[sflag:s0] =	ssyncset.done @!p0 $0x0  }
0x58: {  	[sflag:s0] =	ssyncadd.s32 @!p0 s1  }
0x59: {  	[bflag:$0x3] =	sbarrier.arrive $0xFFFF  }
0x5a: {  	_ =	shalt  }

// kernel: kernel.9.cloned.1.call-start
scs
__scs_entry_jumppad:
0x0: {  	(pc) =	sbr.rel $0x88, $3  }
0x1: {  	(tag) =	ssettag $0x0;
	lr =	simm.s32 $0x1  }
0x2: {  	[smem:$0x3F96] =	sst lr;
	_ =	strace $0xD0000000  }
0x3: {  	_ = 	snop  }
0x4: {  	_ = 	snop  }
0x5: {  	_ = 	snop  }
0x6: {  	_ = 	snop  }
0x7: {  	_ = 	snop  }
__scs_overlays_trampoline_lowered:
0x8: {  	[smem:$0x3FA5] =	sst s0  }
0x9: {  	[smem:$0x3FA6] =	sst s1  }
0xa: {  	[smem:$0x3FA7] =	sst s2  }
0xb: {  	[smem:$0x3FA8] =	sst s3  }
0xc: {  	[smem:$0x3FA9] =	sst s4  }
0xd: {  	[smem:$0x3FAA] =	sst s5  }
0xe: {  	[smem:$0x3FAB] =	sst s6  }
0xf: {  	[smem:$0x3FAC] =	sst s7  }
0x10: {  	[smem:$0x3FAD] =	sst s8  }
0x11: {  	[smem:$0x3FAE] =	sst s9;
	s0 =	simm.s32 @!p0 $0x0  }
0x12: {  	s1 =	sld [smem:$0x3F94];
	s0 =	simm.s32 @p0 $0x1  }
0x13: {  	[smem:$0x3FAF] =	sst s0;
	s0 =	simm.s32 @!p1 $0x0  }
0x14: {  	s2 =	sld [smem:$0x3F93];
	s0 =	simm.s32 @p1 $0x1  }
0x15: {  	[smem:$0x3FB0] =	sst s0;
	s0 =	simm.s32 @!p2 $0x0  }
0x16: {  	s3 =	sld [smem:$0x3FDB];
	s0 =	simm.s32 @p2 $0x1  }
0x17: {  	s4 =	simm.s32 $0x1BF5;
	[smem:$0x3FB2] =	sst s0  }
0x18: {  	s0 =	sld [smem:$0x3F95];
	_ =	swait.ge [sflag:s4], $0x0  }
0x19: {  	s7 =	sld [smem:$0x3F96]  }
0x1a: {  	s8 =	sadd.s32 $0xFFFFE003, lr  }
0x1b: {  	s9 =	sadd.s32 $0xFFFFFEF7, lr;
	s5 =	simm.s32 $0xFFFFFFFF;
	p2 =	slt.u32 s8, $0xFFFFF086  }
0x1c: {  	p1 =	slt.u32 s9, $0xF7A;
	s5 =	simm.s32 @!p2 $0x0  }
0x1d: {  	s5 =	simm.s32 @p1 $0x1;
	p0 =	seq.s32 s7, s2  }
0x1e: {  	s7 =	smul.u32 @!p0 $0xF7A, s2;
	p2 =	seq.s32 @!p0 s5, $0x0  }
0x1f: {  	s9 =	smul.u32 $0xF7A, s1;
	s8 =	simm.s32 @!p0 $0x1BF5;
	p2 =	por !p2, p0  }
0x20: {  	[sflag:s8] =	ssyncset.s32 @!p0 $0xFFFFF086;
	s6 =	sadd.s32 @!p0 s3, s7;
	s7 =	simm.s32 @!p0 $0x108  }
0x21: {  	s3 =	sadd.s32 s3, s9;
	s6 =	sadd.s32 @!p0 $0x88, s6;
	s7 =	simm.s32 @p2 $0x1082  }
0x22: {  	[simem:s7], [sflag:s8] =	dma.local @!p0 [hbm:s6], $0xF7A  }
0x23: {  	s9 =	sor.u32 $0xD0000000, s2;
	s6 =	simm.s32 $0x108;
	_ =	swait.ge @!p0 [sflag:s8], $0x0  }
0x24: {  	s3 =	sadd.s32 $0x88, s3;
	s6 =	simm.s32 @!p1 $0x1082;
	[sflag:s4] =	ssyncset.s32 $0xFFFFF086  }
0x25: {  	[simem:s6], [sflag:s4] =	dma.local [hbm:s3], $0xF7A  }
0x26: {  	[smem:$0x3F96] =	sst s1;
	(tag) =	ssettag s2;
	_ =	strace s9  }
0x27: {  	s1 =	sld [smem:$0x3FA6]  }
0x28: {  	s2 =	sld [smem:$0x3FA7]  }
0x29: {  	s4 =	sld [smem:$0x3FA9]  }
0x2a: {  	p0 =	seq.s32 s5, $0x0;
	s5 =	sld [smem:$0x3FAA]  }
0x2b: {  	s6 =	sld [smem:$0x3FAB]  }
0x2c: {  	s7 =	sld [smem:$0x3FAC]  }
0x2d: {  	s3 =	simm.s32 $0x108;
	s8 =	sld [smem:$0x3FAD]  }
0x2e: {  	s3 =	simm.s32 @!p0 $0x1082;
	s9 =	sld [smem:$0x3FAE]  }
0x2f: {  	lr =	sadd.s32 s0, s3;
	s0 =	sld [smem:$0x3FA5]  }
0x30: {  	s3 =	sld [smem:$0x3FA8]  }
0x31: {  	[smem:$0x3FB1] =	sst s10  }
0x32: {  	s10 =	sld [smem:$0x3FAF];
	_ =	sdelay $0x3  }
0x33: {  	p0 =	seq.s32 s10, $0x1;
	s10 =	sld [smem:$0x3FB1];
	_ =	sdelay $0x3  }
0x34: {  	[smem:$0x3FB1] =	sst s10  }
0x35: {  	s10 =	sld [smem:$0x3FB0];
	_ =	sdelay $0x3  }
0x36: {  	p1 =	seq.s32 s10, $0x1;
	s10 =	sld [smem:$0x3FB1];
	_ =	sdelay $0x3  }
0x37: {  	[smem:$0x3FB1] =	sst s10  }
0x38: {  	s10 =	sld [smem:$0x3FB2]  }
0x39: {  	_ = 	snop;
	(pc) =	sbr.ind lr, $3  }
0x3a: {  	_ = 	snop  }
0x3b: {  	_ = 	snop  }
0x3c: {  	p2 =	seq.s32 s10, $0x1;
	s10 =	sld [smem:$0x3FB1]  }
0x3d: {  	_ =	shalt  }
0x3e: {  	_ =	shalt  }
0x3f: {  	_ =	shalt  }
0x40: {  	_ =	shalt  }
0x41: {  	_ =	shalt  }
0x42: {  	_ =	shalt  }
0x43: {  	_ =	shalt  }
0x44: {  	_ =	shalt  }
0x45: {  	_ =	shalt  }
0x46: {  	_ =	shalt  }
0x47: {  	_ =	shalt  }
0x48: {  	_ =	shalt  }
0x49: {  	_ =	shalt  }
0x4a: {  	_ =	shalt  }
0x4b: {  	_ =	shalt  }
0x4c: {  	_ =	shalt  }
0x4d: {  	_ =	shalt  }
0x4e: {  	_ =	shalt  }
0x4f: {  	_ =	shalt  }
0x50: {  	_ =	shalt  }
0x51: {  	_ =	shalt  }
0x52: {  	_ =	shalt  }
0x53: {  	_ =	shalt  }
0x54: {  	_ =	shalt  }
0x55: {  	_ =	shalt  }
0x56: {  	_ =	shalt  }
0x57: {  	_ =	shalt  }
0x58: {  	_ =	shalt  }
0x59: {  	_ =	shalt  }
0x5a: {  	_ =	shalt  }
0x5b: {  	_ =	shalt  }
0x5c: {  	_ =	shalt  }
0x5d: {  	_ =	shalt  }
0x5e: {  	_ =	shalt  }
0x5f: {  	_ =	shalt  }
0x60: {  	_ =	shalt  }
0x61: {  	_ =	shalt  }
0x62: {  	_ =	shalt  }
0x63: {  	_ =	shalt  }
0x64: {  	_ =	shalt  }
0x65: {  	_ =	shalt  }
0x66: {  	_ =	shalt  }
0x67: {  	_ =	shalt  }
0x68: {  	_ =	shalt  }
0x69: {  	_ =	shalt  }
0x6a: {  	_ =	shalt  }
0x6b: {  	_ =	shalt  }
0x6c: {  	_ =	shalt  }
0x6d: {  	_ =	shalt  }
0x6e: {  	_ =	shalt  }
0x6f: {  	_ =	shalt  }
0x70: {  	_ =	shalt  }
0x71: {  	_ =	shalt  }
0x72: {  	_ =	shalt  }
0x73: {  	_ =	shalt  }
0x74: {  	_ =	shalt  }
0x75: {  	_ =	shalt  }
0x76: {  	_ =	shalt  }
0x77: {  	_ =	shalt  }
0x78: {  	_ =	shalt  }
0x79: {  	_ =	shalt  }
0x7a: {  	_ =	shalt  }
0x7b: {  	_ =	shalt  }
0x7c: {  	_ =	shalt  }
0x7d: {  	_ =	shalt  }
0x7e: {  	_ =	shalt  }
0x7f: {  	_ =	shalt  }
0x80: {  	_ =	shalt  }
0x81: {  	_ =	shalt  }
0x82: {  	_ =	shalt  }
0x83: {  	_ =	shalt  }
0x84: {  	_ =	shalt  }
0x85: {  	_ =	shalt  }
0x86: {  	_ =	shalt  }
0x87: {  	_ =	shalt  }
.Lfunc_end0:
.L_simem_size_0:
called_computation.1_lowered:
.L_overlay_start_0:
0x88: {  	s2 =	sld [smem:$0x3FD9]  }
0x89: {  	s3 =	sld [smem:$0x3FFE];
	_ =	sdelay $0x1  }
0x8a: {  	s1 =	srdreg.scid  }
0x8b: {  	s0 =	sand.u32 $0x1, s1  }
0x8c: {  	s16 =	sshll.u32 s0, $0xA;
	s2 =	sadd.s32 s3, s2  }
0x8d: {  	s2 =	sadd.s32 s2, s16  }
0x8e: {  	[smem:$0x3FBD] =	sst s2  }
0x8f: {  	_ = 	snop  }
0x90: {  	(tm) =	ssettm $0x1  }
0x91: {  	s17 =	sld [smem:$0x3FFB];
	_ =	sdelay $0x3  }
0x92: {  	_ =	strace s17  }
0x93: {  	s2 =	sld [smem:$0x3FFC];
	_ =	sdelay $0x3  }
0x94: {  	_ =	strace s2  }
0x95: {  	s2 =	sld [smem:$0x3FFD];
	_ =	sdelay $0x3  }
0x96: {  	_ =	strace s2  }
0x97: {  	_ =	strace $0x8FFFFFFF  }
0x98: {  	s18 =	sld [smem:$0x3FDB];
	_ =	sdelay $0x1  }
0x99: {  	s19 =	simm.s32 $_scs_section_size  }
0x9a: {  	s4 =	simm.s32 $_size__tile_overlayer_lowered;
	s5 =	simm.s32 $_tile_overlayer_lowered  }
0x9b: {  	s22 =	simm.s32 $0x1BFF;
	s21 =	sshll.u32 s5, $0x1;
	s2 =	sadd.s32 s19, s18  }
0x9c: {  	s6 =	simm.s32 $0x0;
	s20 =	sshll.u32 s4, $0x1;
	s4 =	sadd.s32 s21, s2  }
0x9d: {  	[timem:s6], [sflag:s22] =	dma.local [hbm:s4], s20  }
0x9e: {  	_ =	swait.ge [sflag:s22], s20  }
0x9f: {  	s3 =	ssub.s32 $0x0, s20;
	[sflag:s22] =	ssyncset.done $0x0  }
0xa0: {  	[sflag:s22] =	ssyncadd.s32 s3;
	_ =	sdelay $0x1  }
0xa1: {  	s23 =	simm.s32 $0x1B8B  }
0xa2: {  	_ =	swait.ge [sflag:s23], $0x1  }
0xa3: {  	[sflag:s23] =	ssyncset.done $0x0  }
0xa4: {  	s25 =	simm.s32 $0x1B8E;
	s24 =	sld [smem:$0x3FFE];
	[sflag:s23] =	ssyncadd.s32 $0xFFFFFFFF  }
0xa5: {  	s26 =	simm.s32 $execute0_lowered;
	[smem:$0x3FD2] =	sst s25  }
0xa6: {  	s4 =	sshll.u32 s26, $0x1;
	_ =	strace $0x80000049;
	[dreg:$0x1] =	wrdreg $0xFFFFFFFF  }
0xa7: {  	s28 =	simm.s32 $_size_execute0_lowered;
	s2 =	sadd.s32 s2, s4;
	[dreg:$0x0] =	wrdreg $0x0  }
0xa8: {  	s4 =	sshll.u32 s28, $0x1;
	[dreg:$0x2] =	wrdreg s2  }
0xa9: {  	[dreg:$0x3] =	wrdreg s4  }
0xaa: {  	[dreg:$0x4] =	wrdreg $0xC0  }
0xab: {  	_ =	task [dreg:s6], $0x5FFFF  }
0xac: {  	[dreg:$0x1] =	wrdreg $0xFFFFFFFF  }
0xad: {  	[dreg:$0x0] =	wrdreg $0x60  }
0xae: {  	[dreg:$0x2] =	wrdreg s24  }
0xaf: {  	[dreg:$0x3] =	wrdreg $0x9  }
0xb0: {  	_ =	task.clear_ibuf [dreg:s6], $0x4FFFF;
	_ =	strace $0x90000049  }
0xb1: {  	s29 =	simm.s32 $0x9;
	_ =	strace $0x8000004B  }
0xb2: {  	_ =	swait.ge [sflag:s29], $0x1  }
0xb3: {  	[sflag:s29] =	ssyncadd.s32 $0xFFFFFFFF  }
0xb4: {  	_ =	strace $0x9000004B  }
0xb5: {  	_ =	sfence  }
0xb6: {  	s30 =	sld [smem:$0x0];
	_ =	sdelay $0x2  }
0xb7: {  	s31 =	sshll.u32 s1, $0xD;
	s1 =	sshrl.u32 s1, $0x2  }
0xb8: {  	s3 =	sand.u32 $0x4000, s31;
	s1 =	sadd.s32 s1, s30  }
0xb9: {  	s0 =	sor.u32 s3, s0;
	s1 =	sshll.u32 s1, $0x11  }
0xba: {  	s0 =	sor.u32 s1, s0  }
0xbb: {  	s0 =	sadd.s32 $0x8F2B, s0  }
0xbc: {  	[sflag:s0] =	ssyncadd.remote.s32 $0x1  }
0xbd: {  	_ =	sfence.sel $0xFFFF  }
0xbe: {  	[dreg:$0x0] =	wrdreg $0xFFFFFFFF;
	(pc) =	sbr.abs _section_cstart, $3  }
0xbf: {  	[dreg:$0x1] =	wrdreg $0xFFFFFFFF  }
0xc0: {  	_ =	task.clear_ibuf [dreg:s6], $0x2FFFF;
	_ =	strace $0x9FFFFFFF  }
0xc1: {  	(tm) =	ssettm $0x7FFFFFFF  }
tec
execute0_lowered:
.L_overlay_start_1:
0x0: {  	(tag) =	ssettag $0x1  }
0x1: {  	s1 =	srdreg.scid  }
0x2: {  	s0 =	stileid.u32;
	s4 =	rddreg [dreg:$0x0]  }
0x3: {  	s10 =	simm.s32 $0x1;
	s11 =	simm.s32 $0x7680;
	s12 =	simm.s32 $0x80  }
0x4: {  	s13 =	simm.s32 $0x400;
	s14 =	simm.s32 $0x2;
	s15 =	simm.s32 $0x0  }
0x5: {  	s3 =	sand.u32 $0x1, s1;
	s2 =	sshll.u32 s0, $0x1;
	s1 =	rddreg [dreg:$0x1]  }
0x6: {  	s7 =	sshrl.u32 s0, $0x2;
	s5 =	sor.u32 s3, s2;
	s2 =	simm.s32 $0x0  }
0x7: {  	s7 =	smul.u32 $0x27400, s7;
	s31 =	ssub.s32 $0x2, s3;
	s3 =	sadd.s32 $0x15E00, s4  }
0x8: {  	s6 =	smul.u32 $0x2710, s5;
	[smem:$0x7FF] =	sst s2;
	s5 =	sshll.u32 s5, $0x7  }
0x9: {  	s8 =	sshrl.u32 s31, $0x1;
	_ =	strace $0x8000004A;
	s5 =	sand.u32 $0x380, s5  }
0xa: {  	s6 =	sshrl.u32 s6, $0x3;
	s5 =	sor.u32 s7, s5;
	s7 =	ssub.s32 s31, s8  }
0xb: {  	s8 =	simm.s32 $0x2780;
	s6 =	sadd.s32 s6, s4;
	s5 =	sshrl.u32 s5, $0x3  }
0xc: {  	s7 =	smax.u32 s7, $0x1;
	s9 =	sadd.s32 s5, s4;
	s4 =	sadd.s32 $0x2400, s6  }
0xd: {  	v0 =	vimm.f32 $0.0e+00;
	v1 =	vimm.s32 $0x0;
	s5 =	sadd.s32 $0xC040, s6;
	s6 =	sadd.s32 $0x16400, s9;
	s9 =	simm.s32 $0x4F00  }
.LBB2_1:
0xe: {  	[tilespmem:s2], [sflag:$0x1] =	stream.linear.gather [hbm4b:s4+s2], $0x2710, $0x38;
	[tilespmem:$0xC500] =	vst v63  }
0xf: {  	_ = 	snop  }
0x10: {  	[tilespmem:s8], [sflag:$0x1] =	stream.linear.gather [hbm4b:s5+s2], $0x2710, $0x38;
	[tilespmem:$0xC500] =	vst v63  }
0x11: {  	s16 =	simm.s32 $0x76C0  }
0x12: {  	[tilespmem:s9], [sflag:$0x1] =	stream.linear.gather [hbm4b:s3+s2], $0x2780, $0x38;
	[tilespmem:$0xC500] =	vst v63  }
0x13: {  	[tilespmem:s16+$0xFFFFFFC0] =	vst v0  }
0x14: {  	[tilespmem:s16+$0x30] =	vst v0  }
0x15: {  	[tilespmem:s16+$0x20] =	vst v0  }
0x16: {  	[tilespmem:s16+$0x10] =	vst v0  }
0x17: {  	[tilespmem:s16+$0x0] =	vst v0  }
0x18: {  	[tilespmem:s16+$0xFFFFFFF0] =	vst v0  }
0x19: {  	s17 =	simm.s32 $0x0;
	[tilespmem:s16+$0xFFFFFFE0] =	vst v0  }
.LBB2_2:
0x1a: {  	s17 =	sadd.s32 $0x8, s17;
	[tilespmem:s16+$0xFFFFFFD0] =	vst v0;
	s16 =	sadd.s32 $0x80, s16  }
0x1b: {  	[tilespmem:s16+$0xFFFFFFC0] =	vst v0;
	p0 =	slt.u32 s17, $0x4D8  }
0x1c: {  	[tilespmem:s16+$0x30] =	vst v0  }
.Ltmp0:
0x1d: {  	[tilespmem:s16+$0x20] =	vst v0;
	(pc) =	sbr.rel @p0 .LBB2_2-.Ltmp0, $4  }
0x1e: {  	[tilespmem:s16+$0x10] =	vst v0  }
0x1f: {  	[tilespmem:s16+$0x0] =	vst v0  }
0x20: {  	[tilespmem:s16+$0xFFFFFFF0] =	vst v0  }
0x21: {  	[tilespmem:s16+$0xFFFFFFE0] =	vst v0  }
0x22: {  	[tilespmem:s16+$0xFFFFFFD0] =	vst v0;
	s16 =	simm.s32 $0x0  }
.LBB2_4:
0x23: {  	p0 =	sne.s32 s16, $0x40  }
.Ltmp1:
0x24: {  	_ = 	snop;
	(pc) =	sbr.rel @p0 .LBB2_4-.Ltmp1, $3  }
0x25: {  	_ =	sdelay $0x1  }
0x26: {  	s17 =	sshra.s32 s16, $0x2  }
0x27: {  	s16 =	sadd.s32 $0x40, s16;
	[tilespmem:s17+$0xC480] =	vst v0  }
0x28: {  	_ =	swait.ge [sflag:s10], $0x2710  }
0x29: {  	[sflag:s10] =	ssyncset.done $0x0  }
0x2a: {  	[sflag:s10] =	ssyncadd.s32 $0xFFFFD8F0  }
0x2b: {  	_ =	swait.ge [sflag:s10], $0x2710  }
0x2c: {  	[sflag:s10] =	ssyncset.done $0x0  }
0x2d: {  	[sflag:s10] =	ssyncadd.s32 $0xFFFFD8F0  }
0x2e: {  	_ =	swait.ge [sflag:s10], $0x2780  }
0x2f: {  	[sflag:s10] =	ssyncset.done $0x0  }
0x30: {  	s16 =	simm.s32 $0x27C0;
	[sflag:s10] =	ssyncadd.s32 $0xFFFFD880  }
0x31: {  	v2 =	vld [tilespmem:s16+$0x30]  }
0x32: {  	v3 =	vld [tilespmem:s16+$0xFFFFFFD0]  }
0x33: {  	v4 =	vld [tilespmem:s16+$0xFFFFFFE0]  }
0x34: {  	v5 =	vld [tilespmem:s16+$0xFFFFFFF0]  }
0x35: {  	v6 =	vld [tilespmem:s16+$0x0]  }
0x36: {  	v7 =	vld [tilespmem:s16+$0xFFFFFFC0]  }
0x37: {  	v8 =	vld [tilespmem:s16+$0x10]  }
0x38: {  	v9 =	vld [tilespmem:s16+$0x20];
	s16 =	simm.s32 $0x40  }
0x39: {  	v10 =	vld [tilespmem:s16+$0x30]  }
0x3a: {  	v11 =	vld [tilespmem:s16+$0xFFFFFFC0]  }
0x3b: {  	v12 =	vld [tilespmem:s16+$0xFFFFFFD0]  }
0x3c: {  	v13 =	vld [tilespmem:s16+$0xFFFFFFE0]  }
0x3d: {  	v2 =	vld.idx.msk [tilespmem:v2+s9+$0x0], $0xffff  }
0x3e: {  	v7 =	vld.idx.msk [tilespmem:v7+s9+$0x0], $0xffff  }
0x3f: {  	v3 =	vld.idx.msk [tilespmem:v3+s9+$0x0], $0xffff  }
0x40: {  	v4 =	vld.idx.msk [tilespmem:v4+s9+$0x0], $0xffff  }
0x41: {  	v5 =	vld.idx.msk [tilespmem:v5+s9+$0x0], $0xffff  }
0x42: {  	v15 =	vld [tilespmem:s16+$0xFFFFFFF0];
	vm0 =	vlt.f32 v2, $0.0e+00  }
0x43: {  	v17 =	vld [tilespmem:s16+$0x0];
	vm10 =	vlt.f32 v7, $0.0e+00;
	v14 =	vsel vm0, $0x2710, v1  }
0x44: {  	v6 =	vld.idx.msk [tilespmem:v6+s9+$0x0], $0xffff;
	vm1 =	vlt.f32 v3, $0.0e+00;
	v59 =	vsel vm10, $0x2710, v1;
	v10 =	vadd.s32 v10, v14  }
0x45: {  	v8 =	vld.idx.msk [tilespmem:v8+s9+$0x0], $0xffff;
	vm11 =	vlt.f32 v4, $0.0e+00;
	v16 =	vsel vm1, $0x2710, v1;
	v11 =	vadd.s32 v11, v59  }
0x46: {  	v9 =	vld.idx.msk [tilespmem:v9+s9+$0x0], $0xffff;
	vm12 =	vlt.f32 v5, $0.0e+00;
	v60 =	vsel vm11, $0x2710, v1;
	v12 =	vadd.s32 v12, v16  }
0x47: {  	v18 =	vld [tilespmem:s16+$0x10];
	v61 =	vsel vm12, $0x2710, v1;
	v13 =	vadd.s32 v13, v60  }
0x48: {  	v62 =	vld [tilespmem:s16+$0x20];
	v2 =	vand.u32 $0x7FFFFFFF, v2;
	v15 =	vadd.s32 v15, v61  }
0x49: {  	v63 =	vand.u32 $0x7FFFFFFF, v5;
	v5 =	vand.u32 $0x7FFFFFFF, v7;
	[tilespmem:v10+s11+$0x0] =	vst.idx.add.f32.msk $0xffff, v2  }
0x4a: {  	v3 =	vand.u32 $0x7FFFFFFF, v3;
	v4 =	vand.u32 $0x7FFFFFFF, v4;
	[tilespmem:v11+s11+$0x0] =	vst.idx.add.f32.msk $0xffff, v5  }
0x4b: {  	vm13 =	vlt.f32 v6, $0.0e+00;
	vm14 =	vlt.f32 v8, $0.0e+00;
	vm15 =	vlt.f32 v9, $0.0e+00;
	[tilespmem:v12+s11+$0x0] =	vst.idx.add.f32.msk $0xffff, v3  }
0x4c: {  	v2 =	vand.u32 $0x7FFFFFFF, v6;
	v5 =	vsel vm13, $0x2710, v1;
	v6 =	vsel vm14, $0x2710, v1;
	[tilespmem:v13+s11+$0x0] =	vst.idx.add.f32.msk $0xffff, v4  }
0x4d: {  	v3 =	vand.u32 $0x7FFFFFFF, v8;
	v8 =	vsel vm15, $0x2710, v1;
	v4 =	vand.u32 $0x7FFFFFFF, v9;
	[tilespmem:v15+s11+$0x0] =	vst.idx.add.f32.msk $0xffff, v63  }
0x4e: {  	s17 =	simm.s32 $0x0;
	s18 =	simm.s32 $0x2840;
	v5 =	vadd.s32 v17, v5;
	v7 =	vadd.s32 v18, v6;
	v6 =	vadd.s32 v62, v8  }
.LBB2_6:
0x4f: {  	v8 =	vld [tilespmem:s18+$0x30];
	s17 =	sadd.s32 $0x8, s17  }
0x50: {  	v9 =	vld [tilespmem:s18+$0xFFFFFFD0];
	p0 =	slt.u32 s17, $0x268  }
0x51: {  	v10 =	vld [tilespmem:s18+$0xFFFFFFE0]  }
0x52: {  	v11 =	vld [tilespmem:s18+$0xFFFFFFF0]  }
0x53: {  	v12 =	vld [tilespmem:s18+$0x0]  }
0x54: {  	v13 =	vld [tilespmem:s18+$0x10]  }
0x55: {  	v14 =	vld [tilespmem:s18+$0x20]  }
0x56: {  	v15 =	vld [tilespmem:s18+$0xFFFFFFC0]  }
0x57: {  	v8 =	vld.idx.msk [tilespmem:v8+s9+$0x0], $0xffff  }
0x58: {  	v9 =	vld.idx.msk [tilespmem:v9+s9+$0x0], $0xffff  }
0x59: {  	s16 =	sadd.s32 $0x80, s16;
	v10 =	vld.idx.msk [tilespmem:v10+s9+$0x0], $0xffff  }
0x5a: {  	v16 =	vld [tilespmem:s16+$0x30]  }
0x5b: {  	v11 =	vld.idx.msk [tilespmem:v11+s9+$0x0], $0xffff  }
0x5c: {  	v12 =	vld.idx.msk [tilespmem:v12+s9+$0x0], $0xffff  }
0x5d: {  	vm0 =	vlt.f32 v8, $0.0e+00;
	v13 =	vld.idx.msk [tilespmem:v13+s9+$0x0], $0xffff  }
0x5e: {  	vm1 =	vlt.f32 v9, $0.0e+00;
	v9 =	vand.u32 $0x7FFFFFFF, v9;
	v17 =	vsel vm0, $0x2710, v1;
	v15 =	vld.idx.msk [tilespmem:v15+s9+$0x0], $0xffff  }
0x5f: {  	v18 =	vsel vm1, $0x2710, v1;
	vm0 =	vlt.f32 v10, $0.0e+00;
	v14 =	vld.idx.msk [tilespmem:v14+s9+$0x0], $0xffff;
	v16 =	vadd.s32 v16, v17  }
0x60: {  	v10 =	vand.u32 $0x7FFFFFFF, v10;
	v19 =	vsel vm0, $0x2710, v1;
	v17 =	vld [tilespmem:s16+$0xFFFFFFC0]  }
0x61: {  	vm0 =	vlt.f32 v11, $0.0e+00;
	v11 =	vand.u32 $0x7FFFFFFF, v11;
	v20 =	vld [tilespmem:s16+$0xFFFFFFD0]  }
0x62: {  	v22 =	vsel vm0, $0x2710, v1;
	vm0 =	vlt.f32 v12, $0.0e+00;
	v12 =	vand.u32 $0x7FFFFFFF, v12;
	v21 =	vld [tilespmem:s16+$0xFFFFFFE0]  }
0x63: {  	v8 =	vand.u32 $0x7FFFFFFF, v8;
	v24 =	vsel vm0, $0x2710, v1;
	vm0 =	vlt.f32 v13, $0.0e+00;
	v23 =	vld [tilespmem:s16+$0xFFFFFFF0]  }
0x64: {  	vm1 =	vlt.f32 v15, $0.0e+00;
	v15 =	vand.u32 $0x7FFFFFFF, v15;
	v25 =	vsel vm0, $0x2710, v1;
	[tilespmem:v16+s11+$0x0] =	vst.idx.add.f32.msk $0xffff, v8  }
0x65: {  	v13 =	vand.u32 $0x7FFFFFFF, v13;
	v8 =	vsel vm1, $0x2710, v1;
	vm0 =	vlt.f32 v14, $0.0e+00;
	v16 =	vld [tilespmem:s16+$0x0]  }
0x66: {  	v8 =	vadd.s32 v17, v8;
	v17 =	vadd.s32 v20, v18;
	v18 =	vld [tilespmem:s16+$0x10];
	v20 =	vsel vm0, $0x2710, v1  }
0x67: {  	v14 =	vand.u32 $0x7FFFFFFF, v14;
	v19 =	vadd.s32 v21, v19;
	v21 =	vld [tilespmem:s16+$0x20]  }
0x68: {  	v22 =	vadd.s32 v23, v22;
	[tilespmem:v5+s11+$0x0] =	vst.idx.add.f32.msk $0xffff, v2;
	v2 =	vmov v12  }
0x69: {  	[tilespmem:v7+s11+$0x0] =	vst.idx.add.f32.msk $0xffff, v3;
	v3 =	vmov v13  }
.Ltmp2:
0x6a: {  	v5 =	vadd.s32 v16, v24;
	[tilespmem:v6+s11+$0x0] =	vst.idx.add.f32.msk $0xffff, v4;
	v4 =	vmov v14;
	(pc) =	sbr.rel @p0 .LBB2_6-.Ltmp2, $4  }
0x6b: {  	[tilespmem:v8+s11+$0x0] =	vst.idx.add.f32.msk $0xffff, v15;
	v7 =	vadd.s32 v18, v25  }
0x6c: {  	[tilespmem:v17+s11+$0x0] =	vst.idx.add.f32.msk $0xffff, v9;
	v6 =	vadd.s32 v21, v20  }
0x6d: {  	[tilespmem:v19+s11+$0x0] =	vst.idx.add.f32.msk $0xffff, v10  }
0x6e: {  	s18 =	sadd.s32 $0x80, s18;
	[tilespmem:v22+s11+$0x0] =	vst.idx.add.f32.msk $0xffff, v11  }
0x6f: {  	_ =	sdelay $0x3  }
0x70: {  	[tilespmem:v5+s11+$0x0] =	vst.idx.add.f32.msk $0xffff, v2  }
0x71: {  	[tilespmem:v7+s11+$0x0] =	vst.idx.add.f32.msk $0xffff, v3  }
0x72: {  	[tilespmem:v6+s11+$0x0] =	vst.idx.add.f32.msk $0xffff, v4  }
0x73: {  	v2 =	vld [tilespmem:$0x4E80];
	_ =	sdelay $0x7  }
0x74: {  	v2 =	vld.idx.msk [tilespmem:v2+s9+$0x0], $0xffff;
	_ =	sdelay $0x1  }
0x75: {  	v3 =	vld [tilespmem:$0x2700];
	_ =	sdelay $0x2  }
0x76: {  	vm0 =	vlt.f32 v2, $0.0e+00  }
0x77: {  	v63 =	vsel vm0, $0x2710, v1  }
0x78: {  	v3 =	vadd.s32 v3, v63;
	_ =	sdelay $0x2  }
0x79: {  	s15 =	sadd.s32 $0x1, s15  }
0x7a: {  	p0 =	sne.s32 s15, s7;
	v2 =	vand.u32 $0x7FFFFFFF, v2  }
.Ltmp3:
0x7b: {  	[tilespmem:v3+s11+$0x0] =	vst.idx.add.f32.msk $0xffff, v2;
	(pc) =	sbr.rel @p0 .LBB2_1-.Ltmp3, $4  }
0x7c: {  	[hbm4b:s6+s12] =	stream.strided.scatter [tilespmem:s11], [sflag:$0x2], $0x4E80, s13, s12, $0x38;
	[tilespmem:$0xC500] =	vst v63  }
0x7d: {  	_ =	swait.ge [sflag:s14], $0x4E80  }
0x7e: {  	[sflag:s14] =	ssyncset.done $0x0  }
0x7f: {  	[sflag:s14] =	ssyncadd.s32 $0xFFFFB180  }
0x80: {  	_ =	sfence.sel $0x180000  }
0x81: {  	[bflag:$0x0] =	sbarrier.arrive $0xFFFF  }
0x82: {  	p0 =	sne.s32 s0, $0x0;
	_ =	strace $0x9000004A  }
0x83: {  	s0 =	sadd.s32 @!p0 $0x100000, s1;
	[bflag:$0x2] =	sbarrier.arrive $0xFFFF  }
0x84: {  	[sflag:s0] =	ssyncadd.tile.s32 @!p0 $0x1;
	_ =	shalt  }
.Lfunc_end2:
_tile_overlayer_lowered:
.L_overlay_start_2:
0x85: {  	(tag) =	ssettag $0x2  }
0x86: {  	s0 =	rddreg [dreg:$0x0];
	s2 =	stileid.u32  }
0x87: {  	s1 =	rddreg [dreg:$0x1];
	p0 =	sne.s32 s2, $0x0  }
0x88: {  	s3 =	rddreg [dreg:$0x2];
	[bflag:$0x3] =	sbarrier.arrive $0xFFFF;
	s2 =	simm.s32 @!p0 $0x1C02  }
0x89: {  	[timem:s3], [sflag:s2] =	dma.local @!p0 [hbm:s0], s1  }
0x8a: {  	s0 =	simm.s32 @!p0 $0x2  }
0x8b: {  	_ =	swait.ge @!p0 [sflag:s0], s1  }
0x8c: {  	s1 =	ssub.s32 @!p0 $0x0, s1;
	[sflag:s0] =	ssyncset.done @!p0 $0x0  }
0x8d: {  	[sflag:s0] =	ssyncadd.s32 @!p0 s1  }
0x8e: {  	[bflag:$0x3] =	sbarrier.arrive $0xFFFF  }
0x8f: {  	_ =	shalt  }

</sc_bundles>
